<compile_context>
chip_gen: v7x
topology: tpu7x:2x2x1
jax: 0.10.2.dev20260603
libtpu: 0.0.44.dev20260713+nightly
codegen_flags: <defaults>
</compile_context>

<pallas_src>
import functools

import jax
import jax.numpy as jnp
from jax import lax
from jax.experimental import pallas as pl
from jax.experimental.pallas import tpu as pltpu
from jax.experimental.pallas import tpu_sc as plsc

NUM_TOKENS = 2048
D_MODEL = 1024
D_FF = 2048
NUM_EXPERTS = 8
ALPHA = 1.702
BETA = 1.0

BROW = 128
NBLK = (2 * NUM_TOKENS) // BROW + NUM_EXPERTS
NROWS = NBLK * BROW
NWORK = 32
TPW = NUM_TOKENS // NWORK
DCH = 32



def _cumsum0(x):
    n = x.shape[0]
    k = 1
    while k < n:
        x = x + jnp.concatenate(
            [jnp.zeros((k, x.shape[1]), x.dtype), x[:-k]], axis=0)
        k *= 2
    return x


def _cumsum1(x):
    n = x.shape[1]
    k = 1
    while k < n:
        x = x + jnp.concatenate(
            [jnp.zeros((x.shape[0], k), x.dtype), x[:, :-k]], axis=1)
        k *= 2
    return x

def _router_kernel(x_ref, wg_ref, bg_ref, pos_ref, w_ref, be_ref):
    x = x_ref[...]
    logits = jnp.dot(x, wg_ref[...], preferred_element_type=jnp.float32) + bg_ref[...]
    p = jax.nn.softmax(logits, axis=-1)
    a1 = jnp.argmax(p, axis=-1)
    p1 = jnp.max(p, axis=-1)
    ids = jax.lax.broadcasted_iota(jnp.int32, p.shape, 1)
    masked = jnp.where(ids == a1[:, None], -jnp.inf, p)
    a2 = jnp.argmax(masked, axis=-1)
    p2 = jnp.max(masked, axis=-1)
    denom = p1 + p2
    w1 = p1 / denom
    w2 = p2 / denom

    oh1 = (ids == a1[:, None]).astype(jnp.float32)
    oh2 = (ids == a2[:, None]).astype(jnp.float32)
    both = oh1 + oh2
    s_incl = _cumsum0(both)
    s_excl = s_incl - both
    sizes = s_incl[-1:, :]
    nb = jnp.floor((sizes + (BROW - 1)) / BROW)
    sb = _cumsum1(nb) - nb
    start_row = sb * BROW
    pos1 = jnp.sum(oh1 * (start_row + s_excl), axis=-1, keepdims=True)
    pos2 = jnp.sum(oh2 * (start_row + s_excl), axis=-1, keepdims=True)
    pos_ref[:, 0:1] = pos1.astype(jnp.int32)
    pos_ref[:, 1:2] = pos2.astype(jnp.int32)
    w_ref[:, 0:1] = w1[:, None]
    w_ref[:, 1:2] = w2[:, None]

    cum_end = sb + nb
    bids = jax.lax.broadcasted_iota(
        jnp.int32, (NUM_EXPERTS, NBLK), 1).astype(jnp.float32)
    be = jnp.sum((cum_end.reshape(NUM_EXPERTS, 1) <= bids).astype(jnp.float32),
                 axis=0, keepdims=True)
    be_ref[...] = jnp.minimum(be, NUM_EXPERTS - 1).astype(jnp.int32)


def _router_call(x, Wg, bg2):
    return pl.pallas_call(
        _router_kernel,
        grid=(1,),
        in_specs=[
            pl.BlockSpec((NUM_TOKENS, D_MODEL), lambda i: (0, 0)),
            pl.BlockSpec((D_MODEL, NUM_EXPERTS), lambda i: (0, 0)),
            pl.BlockSpec((1, NUM_EXPERTS), lambda i: (0, 0)),
        ],
        out_specs=[
            pl.BlockSpec((NUM_TOKENS, 2), lambda i: (0, 0)),
            pl.BlockSpec((NUM_TOKENS, 2), lambda i: (0, 0)),
            pl.BlockSpec((1, NBLK), lambda i: (0, 0)),
        ],
        out_shape=[
            jax.ShapeDtypeStruct((NUM_TOKENS, 2), jnp.int32),
            jax.ShapeDtypeStruct((NUM_TOKENS, 2), jnp.float32),
            jax.ShapeDtypeStruct((1, NBLK), jnp.int32),
        ],
    )(x, Wg, bg2)



_sc_mesh = plsc.VectorSubcoreMesh(core_axis_name="c", subcore_axis_name="s")


@functools.partial(
    pl.kernel,
    mesh=_sc_mesh,
    out_type=jax.ShapeDtypeStruct((NROWS, D_MODEL), jnp.float32),
    scratch_types=[
        pltpu.VMEM((2, TPW), jnp.int32),
        pltpu.VMEM((TPW, D_MODEL), jnp.float32),
        pltpu.SemaphoreType.DMA,
    ],
)
def _dispatch_kernel(x_hbm, idx3_hbm, xs_hbm, idx_v, rows_v, sem):
    wid = lax.axis_index("s") * 2 + lax.axis_index("c")
    base = wid * TPW
    pltpu.sync_copy(idx3_hbm.at[wid], idx_v)
    pltpu.sync_copy(x_hbm.at[pl.ds(base, TPW)], rows_v)
    pltpu.async_copy(rows_v, xs_hbm.at[idx_v.at[0]], sem).wait()
    pltpu.async_copy(rows_v, xs_hbm.at[idx_v.at[1]], sem).wait()



def _gm_kernel(be_ref, xs_ref, wf_ref, bf_ref, wd_ref, bd_ref, rows_ref):
    del be_ref
    xb = xs_ref[...].astype(jnp.bfloat16)
    gu = jnp.dot(xb, wf_ref[0], preferred_element_type=jnp.float32) + bf_ref[0]

    i0 = jax.lax.broadcasted_iota(jnp.int32, (512, 256), 0)
    i1 = jax.lax.broadcasted_iota(jnp.int32, (512, 256), 1)
    se = (i0 == 2 * i1).astype(jnp.bfloat16)
    so = (i0 == 2 * i1 + 1).astype(jnp.bfloat16)
    gates = []
    ups = []
    for c in range(2 * D_FF // 512):
        guc = gu[:, c * 512:(c + 1) * 512].astype(jnp.bfloat16)
        gates.append(jnp.dot(guc, se, preferred_element_type=jnp.float32))
        ups.append(jnp.dot(guc, so, preferred_element_type=jnp.float32))
    gate = jnp.concatenate(gates, axis=1)
    up = jnp.concatenate(ups, axis=1)
    act = (up + BETA) * (gate * jax.nn.sigmoid(ALPHA * gate))
    rows_ref[...] = jnp.dot(act.astype(jnp.bfloat16), wd_ref[0],
                            preferred_element_type=jnp.float32) + bd_ref[0]


def _gm_call(be_flat, xs, Wf, bf2, Wd, bd2):
    grid_spec = pltpu.PrefetchScalarGridSpec(
        num_scalar_prefetch=1,
        grid=(NBLK,),
        in_specs=[
            pl.BlockSpec((BROW, D_MODEL), lambda b, be: (b, 0)),
            pl.BlockSpec((1, D_MODEL, 2 * D_FF), lambda b, be: (be[b], 0, 0)),
            pl.BlockSpec((1, 1, 2 * D_FF), lambda b, be: (be[b], 0, 0)),
            pl.BlockSpec((1, D_FF, D_MODEL), lambda b, be: (be[b], 0, 0)),
            pl.BlockSpec((1, 1, D_MODEL), lambda b, be: (be[b], 0, 0)),
        ],
        out_specs=pl.BlockSpec((BROW, D_MODEL), lambda b, be: (b, 0)),
    )
    return pl.pallas_call(
        _gm_kernel,
        grid_spec=grid_spec,
        out_shape=jax.ShapeDtypeStruct((NROWS, D_MODEL), jnp.float32),
    )(be_flat, xs, Wf, bf2, Wd, bd2)



@functools.partial(
    pl.kernel,
    mesh=_sc_mesh,
    out_type=jax.ShapeDtypeStruct((2, NUM_TOKENS, D_MODEL), jnp.float32),
    scratch_types=[
        pltpu.VMEM((2, TPW), jnp.int32),
        pltpu.VMEM((DCH, D_MODEL), jnp.float32),
        pltpu.SemaphoreType.DMA,
    ],
)
def _gather_kernel(rows_hbm, idx3_hbm, g2_hbm, idx_v, r_v, sem):
    wid = lax.axis_index("s") * 2 + lax.axis_index("c")
    base = wid * TPW
    pltpu.sync_copy(idx3_hbm.at[wid], idx_v)
    for k in range(2):
        for c in range(TPW // DCH):
            pltpu.async_copy(
                rows_hbm.at[idx_v.at[k, pl.ds(c * DCH, DCH)]], r_v, sem
            ).wait()
            pltpu.sync_copy(r_v, g2_hbm.at[k, pl.ds(base + c * DCH, DCH)])



def _combine_kernel(g0_ref, g1_ref, w_ref, out_ref):
    w = w_ref[...]
    out_ref[...] = (w[:, 0:1] * g0_ref[0] + w[:, 1:2] * g1_ref[0])


def _combine_call(g2, w):
    bt = 512
    return pl.pallas_call(
        _combine_kernel,
        grid=(NUM_TOKENS // bt,),
        in_specs=[
            pl.BlockSpec((1, bt, D_MODEL), lambda t: (0, t, 0)),
            pl.BlockSpec((1, bt, D_MODEL), lambda t: (1, t, 0)),
            pl.BlockSpec((bt, 2), lambda t: (t, 0)),
        ],
        out_specs=pl.BlockSpec((bt, D_MODEL), lambda t: (t, 0)),
        out_shape=jax.ShapeDtypeStruct((NUM_TOKENS, D_MODEL), jnp.float32),
    )(g2, g2, w)


@jax.jit
def kernel(hidden_states, Wg, bg, W_gate_up, b_gate_up, W_down, b_down):
    Wf = W_gate_up.astype(jnp.bfloat16)
    bf2 = b_gate_up.reshape(NUM_EXPERTS, 1, 2 * D_FF)
    Wd = W_down.astype(jnp.bfloat16)
    bd2 = b_down.reshape(NUM_EXPERTS, 1, D_MODEL)
    bg2 = bg.reshape(1, NUM_EXPERTS)

    pos, w, be = _router_call(hidden_states, Wg, bg2)
    idx3 = pos.reshape(NWORK, TPW, 2).transpose(0, 2, 1)
    be_flat = be.reshape(NBLK)

    xs = _dispatch_kernel(hidden_states, idx3)
    rows = _gm_call(be_flat, xs, Wf, bf2, Wd, bd2)
    g2 = _gather_kernel(rows, idx3)
    return _combine_call(g2, w)

# --- scband reference (transcript-rebuilt; emitter-appended) ---
"""Pipeline reference for scband-open-aimoe-sparse-moe-block-34136400068634 (READ-ONLY COPY).

The authoritative reference and input builder live on the scoring server;
editing this copy changes nothing except your own understanding.
"""

import jax, jax.numpy as jnp
import numpy as np

NUM_TOKENS = 2048
D_MODEL = 1024
D_FF = 2048
NUM_EXPERTS = 8
TOP_K = 2
SWIGLU_ALPHA = 1.702
SWIGLU_BETA = 1.0


def setup_inputs(seed: int = 0) -> dict:
    key = jax.random.key(seed)
    ks = jax.random.split(key, 8)
    hidden_states = jax.random.normal(ks[0], (NUM_TOKENS, D_MODEL), dtype=jnp.float32)
    # router (ReplicatedLinear: hidden_size -> num_experts, with bias since mlp_bias=True)
    Wg = jax.random.normal(ks[1], (D_MODEL, NUM_EXPERTS), dtype=jnp.float32) * 0.02
    bg = jax.random.normal(ks[2], (NUM_EXPERTS,), dtype=jnp.float32) * 0.02
    # experts: fused gate_up projection (interleaved gate/up pairs -> pair_wise_act), then down proj
    W_gate_up = jax.random.normal(ks[3], (NUM_EXPERTS, D_MODEL, 2 * D_FF), dtype=jnp.float32) * 0.02
    b_gate_up = jax.random.normal(ks[4], (NUM_EXPERTS, 2 * D_FF), dtype=jnp.float32) * 0.02
    W_down = jax.random.normal(ks[5], (NUM_EXPERTS, D_FF, D_MODEL), dtype=jnp.float32) * 0.02
    b_down = jax.random.normal(ks[6], (NUM_EXPERTS, D_MODEL), dtype=jnp.float32) * 0.02
    return {
        "hidden_states": hidden_states,
        "Wg": Wg,
        "bg": bg,
        "W_gate_up": W_gate_up,
        "b_gate_up": b_gate_up,
        "W_down": W_down,
        "b_down": b_down,
    }


def reference(hidden_states, Wg, bg, W_gate_up, b_gate_up, W_down, b_down):
    num_tokens, hidden_dim = hidden_states.shape
    x = hidden_states.reshape(-1, hidden_dim)
    # gate: router logits
    router_logits = x @ Wg + bg  # [T, E]
    # TopK(top_k=2, renormalize=True): softmax over experts, take top-k, renormalize
    probs = jax.nn.softmax(router_logits, axis=-1)
    topk_vals, topk_idx = jax.lax.top_k(probs, TOP_K)  # [T, K]
    topk_weights = topk_vals / jnp.sum(topk_vals, axis=-1, keepdims=True)
    # experts with pair-wise swiglu activation (alpha=1.702, beta=1.0)
    out = jnp.zeros_like(x)
    for e in range(NUM_EXPERTS):
        gu = x @ W_gate_up[e] + b_gate_up[e]  # [T, 2*F]
        gate = gu[:, 0::2]
        up = gu[:, 1::2]
        glu = gate * jax.nn.sigmoid(SWIGLU_ALPHA * gate)
        act = (up + SWIGLU_BETA) * glu  # [T, F]
        expert_out = act @ W_down[e] + b_down[e]  # [T, D]
        coef = jnp.sum(jnp.where(topk_idx == e, topk_weights, 0.0), axis=-1)  # [T]
        out = out + coef[:, None] * expert_out
    return out.reshape(num_tokens, hidden_dim)

if __name__ == "__main__":
    import jax
    _d = setup_inputs()
    print(jax.jit(kernel)(*tuple(_d.values())))

</pallas_src>

<mosaic_0001>
#map = affine_map<(d0, d1) -> (0, 0)>
#map1 = affine_map<(d0, d1) -> (0, 0, 0)>
module attributes {stable_mosaic.version = 14 : i64} {
  func.func @_gather_kernel(%arg0: i32, %arg1: i32, %arg2: memref<5120x1024xf32, #tpu.memory_space<hbm>>, %arg3: memref<32x2x64xi32, #tpu.memory_space<hbm>>, %arg4: memref<2x2048x1024xf32, #tpu.memory_space<hbm>>, %arg5: memref<2x64xi32, #tpu.memory_space<vmem>>, %arg6: memref<32x1024xf32, #tpu.memory_space<vmem>>, %arg7: memref<!tpu.dma_semaphore, #tpu.memory_space<semaphore_mem>>) attributes {dimension_semantics = [#tpu.dimension_semantics<core_parallel>, #tpu.dimension_semantics<subcore_parallel>], iteration_bounds = array<i64: 2, 16>, scalar_prefetch = 0 : i64, scratch_operands = 3 : i64, tpu.core_type = #tpu.core_type<sc_vector_subcore>, window_params = [{transform_indices = #map}, {transform_indices = #map1}, {transform_indices = #map1}]} {
    %mul3A = arith.constant 2 : i32
    %mul3A_0 = arith.muli %arg1, %mul3A : i32
    %add3A = arith.addi %mul3A_0, %arg0 : i32
    %mul3A_1 = arith.constant 64 : i32
    %mul3A_2 = arith.muli %add3A, %mul3A_1 : i32
    "tpu.region"() ({
      %run_scoped3A_68 = tpu.sem_alloc : memref<!tpu.dma_semaphore, #tpu.memory_space<semaphore_mem>>
      %dma_start3A_69 = arith.constant 0 : i32
      %dma_start3A_70 = arith.constant 0 : i32
      %dma_start3A_71 = tpu.memref_slice %arg3[%add3A, %dma_start3A_69, %dma_start3A_70] : memref<32x2x64xi32, #tpu.memory_space<hbm>> -> memref<1x2x64xi32, #tpu.memory_space<hbm>>
      %dma_start3A_72 = tpu.memref_squeeze %dma_start3A_71 : memref<1x2x64xi32, #tpu.memory_space<hbm>> -> memref<2x64xi32, #tpu.memory_space<hbm>>
      %dma_start3A_73 = arith.constant 0 : i32
      %dma_start3A_74 = arith.constant 0 : i32
      %dma_start3A_75 = tpu.memref_slice %arg3[%add3A, %dma_start3A_73, %dma_start3A_74] : memref<32x2x64xi32, #tpu.memory_space<hbm>> -> memref<1x2x64xi32, #tpu.memory_space<hbm>>
      %dma_start3A_76 = tpu.memref_squeeze %dma_start3A_75 : memref<1x2x64xi32, #tpu.memory_space<hbm>> -> memref<2x64xi32, #tpu.memory_space<hbm>>
      tpu.enqueue_dma source(%dma_start3A_76 : memref<2x64xi32, #tpu.memory_space<hbm>>) target(%arg5 : memref<2x64xi32, #tpu.memory_space<vmem>>) target_semaphore(%run_scoped3A_68 : memref<!tpu.dma_semaphore, #tpu.memory_space<semaphore_mem>>)
      %dma_wait3A_77 = arith.constant 0 : i32
      %dma_wait3A_78 = arith.constant 0 : i32
      %dma_wait3A_79 = tpu.memref_slice %arg3[%add3A, %dma_wait3A_77, %dma_wait3A_78] : memref<32x2x64xi32, #tpu.memory_space<hbm>> -> memref<1x2x64xi32, #tpu.memory_space<hbm>>
      %dma_wait3A_80 = tpu.memref_squeeze %dma_wait3A_79 : memref<1x2x64xi32, #tpu.memory_space<hbm>> -> memref<2x64xi32, #tpu.memory_space<hbm>>
      %dma_wait3A_81 = arith.constant 0 : i32
      %dma_wait3A_82 = arith.constant 0 : i32
      %dma_wait3A_83 = tpu.memref_slice %arg3[%add3A, %dma_wait3A_81, %dma_wait3A_82] : memref<32x2x64xi32, #tpu.memory_space<hbm>> -> memref<1x2x64xi32, #tpu.memory_space<hbm>>
      %dma_wait3A_84 = tpu.memref_squeeze %dma_wait3A_83 : memref<1x2x64xi32, #tpu.memory_space<hbm>> -> memref<2x64xi32, #tpu.memory_space<hbm>>
      tpu.wait_dma2 semaphore(%run_scoped3A_68 : memref<!tpu.dma_semaphore, #tpu.memory_space<semaphore_mem>>) src(%dma_wait3A_84 : memref<2x64xi32, #tpu.memory_space<hbm>>) dst(%arg5 : memref<2x64xi32, #tpu.memory_space<vmem>>)
      tpu.yield
    }) : () -> ()
    %dma_start3A = arith.constant 0 : i32
    %dma_start3A_3 = arith.constant 0 : i32
    %dma_start3A_4 = tpu.memref_slice %arg5[%dma_start3A, %dma_start3A_3] : memref<2x64xi32, #tpu.memory_space<vmem>> -> memref<1x32xi32, #tpu.memory_space<vmem>>
    %dma_start3A_5 = tpu.memref_squeeze %dma_start3A_4 : memref<1x32xi32, #tpu.memory_space<vmem>> -> memref<32xi32, #tpu.memory_space<vmem>>
    %dma_start3A_6 = arith.constant 0 : i32
    %dma_start3A_7 = arith.constant 0 : i32
    %dma_start3A_8 = tpu.memref_slice %arg2[%dma_start3A_6, %dma_start3A_7] : memref<5120x1024xf32, #tpu.memory_space<hbm>> -> memref<5120x1024xf32, #tpu.memory_space<hbm>>
    tpu.enqueue_indirect_dma source(%dma_start3A_8 : memref<5120x1024xf32, #tpu.memory_space<hbm>>) target(%arg6 : memref<32x1024xf32, #tpu.memory_space<vmem>>) offsets(%dma_start3A_5 : memref<32xi32, #tpu.memory_space<vmem>>) semaphore(%arg7 : memref<!tpu.dma_semaphore, #tpu.memory_space<semaphore_mem>>)
    %dma_wait3A = arith.constant 0 : i32
    %dma_wait3A_9 = arith.constant 0 : i32
    %dma_wait3A_10 = tpu.memref_slice %arg5[%dma_wait3A, %dma_wait3A_9] : memref<2x64xi32, #tpu.memory_space<vmem>> -> memref<1x32xi32, #tpu.memory_space<vmem>>
    %dma_wait3A_11 = tpu.memref_squeeze %dma_wait3A_10 : memref<1x32xi32, #tpu.memory_space<vmem>> -> memref<32xi32, #tpu.memory_space<vmem>>
    %dma_wait3A_12 = arith.constant 0 : i32
    %dma_wait3A_13 = arith.constant 0 : i32
    %dma_wait3A_14 = tpu.memref_slice %arg2[%dma_wait3A_12, %dma_wait3A_13] : memref<5120x1024xf32, #tpu.memory_space<hbm>> -> memref<5120x1024xf32, #tpu.memory_space<hbm>>
    tpu.wait_indirect_dma semaphore(%arg7 : memref<!tpu.dma_semaphore, #tpu.memory_space<semaphore_mem>>) src(%dma_wait3A_14 : memref<5120x1024xf32, #tpu.memory_space<hbm>>) dst(%arg6 : memref<32x1024xf32, #tpu.memory_space<vmem>>)
    %add3A_15 = arith.constant 0 : i32
    %add3A_16 = arith.addi %mul3A_2, %add3A_15 : i32
    %run_scoped3A = arith.constant 0 : i32
    "tpu.region"() ({
      %run_scoped3A_68 = tpu.sem_alloc : memref<!tpu.dma_semaphore, #tpu.memory_space<semaphore_mem>>
      %dma_start3A_69 = arith.constant 0 : i32
      %dma_start3A_70 = tpu.memref_slice %arg4[%run_scoped3A, %add3A_16, %dma_start3A_69] : memref<2x2048x1024xf32, #tpu.memory_space<hbm>> -> memref<1x32x1024xf32, #tpu.memory_space<hbm>>
      %dma_start3A_71 = tpu.memref_squeeze %dma_start3A_70 : memref<1x32x1024xf32, #tpu.memory_space<hbm>> -> memref<32x1024xf32, #tpu.memory_space<hbm>>
      %dma_start3A_72 = arith.constant 0 : i32
      %dma_start3A_73 = tpu.memref_slice %arg4[%run_scoped3A, %add3A_16, %dma_start3A_72] : memref<2x2048x1024xf32, #tpu.memory_space<hbm>> -> memref<1x32x1024xf32, #tpu.memory_space<hbm>>
      %dma_start3A_74 = tpu.memref_squeeze %dma_start3A_73 : memref<1x32x1024xf32, #tpu.memory_space<hbm>> -> memref<32x1024xf32, #tpu.memory_space<hbm>>
      tpu.enqueue_dma source(%arg6 : memref<32x1024xf32, #tpu.memory_space<vmem>>) target(%dma_start3A_74 : memref<32x1024xf32, #tpu.memory_space<hbm>>) target_semaphore(%run_scoped3A_68 : memref<!tpu.dma_semaphore, #tpu.memory_space<semaphore_mem>>)
      %dma_wait3A_75 = arith.constant 0 : i32
      %dma_wait3A_76 = tpu.memref_slice %arg4[%run_scoped3A, %add3A_16, %dma_wait3A_75] : memref<2x2048x1024xf32, #tpu.memory_space<hbm>> -> memref<1x32x1024xf32, #tpu.memory_space<hbm>>
      %dma_wait3A_77 = tpu.memref_squeeze %dma_wait3A_76 : memref<1x32x1024xf32, #tpu.memory_space<hbm>> -> memref<32x1024xf32, #tpu.memory_space<hbm>>
      %dma_wait3A_78 = arith.constant 0 : i32
      %dma_wait3A_79 = tpu.memref_slice %arg4[%run_scoped3A, %add3A_16, %dma_wait3A_78] : memref<2x2048x1024xf32, #tpu.memory_space<hbm>> -> memref<1x32x1024xf32, #tpu.memory_space<hbm>>
      %dma_wait3A_80 = tpu.memref_squeeze %dma_wait3A_79 : memref<1x32x1024xf32, #tpu.memory_space<hbm>> -> memref<32x1024xf32, #tpu.memory_space<hbm>>
      tpu.wait_dma2 semaphore(%run_scoped3A_68 : memref<!tpu.dma_semaphore, #tpu.memory_space<semaphore_mem>>) src(%arg6 : memref<32x1024xf32, #tpu.memory_space<vmem>>) dst(%dma_wait3A_80 : memref<32x1024xf32, #tpu.memory_space<hbm>>)
      tpu.yield
    }) : () -> ()
    %dma_start3A_17 = arith.constant 0 : i32
    %dma_start3A_18 = arith.constant 32 : i32
    %dma_start3A_19 = tpu.memref_slice %arg5[%dma_start3A_17, %dma_start3A_18] : memref<2x64xi32, #tpu.memory_space<vmem>> -> memref<1x32xi32, #tpu.memory_space<vmem>>
    %dma_start3A_20 = tpu.memref_squeeze %dma_start3A_19 : memref<1x32xi32, #tpu.memory_space<vmem>> -> memref<32xi32, #tpu.memory_space<vmem>>
    %dma_start3A_21 = arith.constant 0 : i32
    %dma_start3A_22 = arith.constant 0 : i32
    %dma_start3A_23 = tpu.memref_slice %arg2[%dma_start3A_21, %dma_start3A_22] : memref<5120x1024xf32, #tpu.memory_space<hbm>> -> memref<5120x1024xf32, #tpu.memory_space<hbm>>
    tpu.enqueue_indirect_dma source(%dma_start3A_23 : memref<5120x1024xf32, #tpu.memory_space<hbm>>) target(%arg6 : memref<32x1024xf32, #tpu.memory_space<vmem>>) offsets(%dma_start3A_20 : memref<32xi32, #tpu.memory_space<vmem>>) semaphore(%arg7 : memref<!tpu.dma_semaphore, #tpu.memory_space<semaphore_mem>>)
    %dma_wait3A_24 = arith.constant 0 : i32
    %dma_wait3A_25 = arith.constant 32 : i32
    %dma_wait3A_26 = tpu.memref_slice %arg5[%dma_wait3A_24, %dma_wait3A_25] : memref<2x64xi32, #tpu.memory_space<vmem>> -> memref<1x32xi32, #tpu.memory_space<vmem>>
    %dma_wait3A_27 = tpu.memref_squeeze %dma_wait3A_26 : memref<1x32xi32, #tpu.memory_space<vmem>> -> memref<32xi32, #tpu.memory_space<vmem>>
    %dma_wait3A_28 = arith.constant 0 : i32
    %dma_wait3A_29 = arith.constant 0 : i32
    %dma_wait3A_30 = tpu.memref_slice %arg2[%dma_wait3A_28, %dma_wait3A_29] : memref<5120x1024xf32, #tpu.memory_space<hbm>> -> memref<5120x1024xf32, #tpu.memory_space<hbm>>
    tpu.wait_indirect_dma semaphore(%arg7 : memref<!tpu.dma_semaphore, #tpu.memory_space<semaphore_mem>>) src(%dma_wait3A_30 : memref<5120x1024xf32, #tpu.memory_space<hbm>>) dst(%arg6 : memref<32x1024xf32, #tpu.memory_space<vmem>>)
    %add3A_31 = arith.constant 32 : i32
    %add3A_32 = arith.addi %mul3A_2, %add3A_31 : i32
    %run_scoped3A_33 = arith.constant 0 : i32
    "tpu.region"() ({
      %run_scoped3A_68 = tpu.sem_alloc : memref<!tpu.dma_semaphore, #tpu.memory_space<semaphore_mem>>
      %dma_start3A_69 = arith.constant 0 : i32
      %dma_start3A_70 = tpu.memref_slice %arg4[%run_scoped3A_33, %add3A_32, %dma_start3A_69] : memref<2x2048x1024xf32, #tpu.memory_space<hbm>> -> memref<1x32x1024xf32, #tpu.memory_space<hbm>>
      %dma_start3A_71 = tpu.memref_squeeze %dma_start3A_70 : memref<1x32x1024xf32, #tpu.memory_space<hbm>> -> memref<32x1024xf32, #tpu.memory_space<hbm>>
      %dma_start3A_72 = arith.constant 0 : i32
      %dma_start3A_73 = tpu.memref_slice %arg4[%run_scoped3A_33, %add3A_32, %dma_start3A_72] : memref<2x2048x1024xf32, #tpu.memory_space<hbm>> -> memref<1x32x1024xf32, #tpu.memory_space<hbm>>
      %dma_start3A_74 = tpu.memref_squeeze %dma_start3A_73 : memref<1x32x1024xf32, #tpu.memory_space<hbm>> -> memref<32x1024xf32, #tpu.memory_space<hbm>>
      tpu.enqueue_dma source(%arg6 : memref<32x1024xf32, #tpu.memory_space<vmem>>) target(%dma_start3A_74 : memref<32x1024xf32, #tpu.memory_space<hbm>>) target_semaphore(%run_scoped3A_68 : memref<!tpu.dma_semaphore, #tpu.memory_space<semaphore_mem>>)
      %dma_wait3A_75 = arith.constant 0 : i32
      %dma_wait3A_76 = tpu.memref_slice %arg4[%run_scoped3A_33, %add3A_32, %dma_wait3A_75] : memref<2x2048x1024xf32, #tpu.memory_space<hbm>> -> memref<1x32x1024xf32, #tpu.memory_space<hbm>>
      %dma_wait3A_77 = tpu.memref_squeeze %dma_wait3A_76 : memref<1x32x1024xf32, #tpu.memory_space<hbm>> -> memref<32x1024xf32, #tpu.memory_space<hbm>>
      %dma_wait3A_78 = arith.constant 0 : i32
      %dma_wait3A_79 = tpu.memref_slice %arg4[%run_scoped3A_33, %add3A_32, %dma_wait3A_78] : memref<2x2048x1024xf32, #tpu.memory_space<hbm>> -> memref<1x32x1024xf32, #tpu.memory_space<hbm>>
      %dma_wait3A_80 = tpu.memref_squeeze %dma_wait3A_79 : memref<1x32x1024xf32, #tpu.memory_space<hbm>> -> memref<32x1024xf32, #tpu.memory_space<hbm>>
      tpu.wait_dma2 semaphore(%run_scoped3A_68 : memref<!tpu.dma_semaphore, #tpu.memory_space<semaphore_mem>>) src(%arg6 : memref<32x1024xf32, #tpu.memory_space<vmem>>) dst(%dma_wait3A_80 : memref<32x1024xf32, #tpu.memory_space<hbm>>)
      tpu.yield
    }) : () -> ()
    %dma_start3A_34 = arith.constant 1 : i32
    %dma_start3A_35 = arith.constant 0 : i32
    %dma_start3A_36 = tpu.memref_slice %arg5[%dma_start3A_34, %dma_start3A_35] : memref<2x64xi32, #tpu.memory_space<vmem>> -> memref<1x32xi32, #tpu.memory_space<vmem>>
    %dma_start3A_37 = tpu.memref_squeeze %dma_start3A_36 : memref<1x32xi32, #tpu.memory_space<vmem>> -> memref<32xi32, #tpu.memory_space<vmem>>
    %dma_start3A_38 = arith.constant 0 : i32
    %dma_start3A_39 = arith.constant 0 : i32
    %dma_start3A_40 = tpu.memref_slice %arg2[%dma_start3A_38, %dma_start3A_39] : memref<5120x1024xf32, #tpu.memory_space<hbm>> -> memref<5120x1024xf32, #tpu.memory_space<hbm>>
    tpu.enqueue_indirect_dma source(%dma_start3A_40 : memref<5120x1024xf32, #tpu.memory_space<hbm>>) target(%arg6 : memref<32x1024xf32, #tpu.memory_space<vmem>>) offsets(%dma_start3A_37 : memref<32xi32, #tpu.memory_space<vmem>>) semaphore(%arg7 : memref<!tpu.dma_semaphore, #tpu.memory_space<semaphore_mem>>)
    %dma_wait3A_41 = arith.constant 1 : i32
    %dma_wait3A_42 = arith.constant 0 : i32
    %dma_wait3A_43 = tpu.memref_slice %arg5[%dma_wait3A_41, %dma_wait3A_42] : memref<2x64xi32, #tpu.memory_space<vmem>> -> memref<1x32xi32, #tpu.memory_space<vmem>>
    %dma_wait3A_44 = tpu.memref_squeeze %dma_wait3A_43 : memref<1x32xi32, #tpu.memory_space<vmem>> -> memref<32xi32, #tpu.memory_space<vmem>>
    %dma_wait3A_45 = arith.constant 0 : i32
    %dma_wait3A_46 = arith.constant 0 : i32
    %dma_wait3A_47 = tpu.memref_slice %arg2[%dma_wait3A_45, %dma_wait3A_46] : memref<5120x1024xf32, #tpu.memory_space<hbm>> -> memref<5120x1024xf32, #tpu.memory_space<hbm>>
    tpu.wait_indirect_dma semaphore(%arg7 : memref<!tpu.dma_semaphore, #tpu.memory_space<semaphore_mem>>) src(%dma_wait3A_47 : memref<5120x1024xf32, #tpu.memory_space<hbm>>) dst(%arg6 : memref<32x1024xf32, #tpu.memory_space<vmem>>)
    %add3A_48 = arith.constant 0 : i32
    %add3A_49 = arith.addi %mul3A_2, %add3A_48 : i32
    %run_scoped3A_50 = arith.constant 1 : i32
    "tpu.region"() ({
      %run_scoped3A_68 = tpu.sem_alloc : memref<!tpu.dma_semaphore, #tpu.memory_space<semaphore_mem>>
      %dma_start3A_69 = arith.constant 0 : i32
      %dma_start3A_70 = tpu.memref_slice %arg4[%run_scoped3A_50, %add3A_49, %dma_start3A_69] : memref<2x2048x1024xf32, #tpu.memory_space<hbm>> -> memref<1x32x1024xf32, #tpu.memory_space<hbm>>
      %dma_start3A_71 = tpu.memref_squeeze %dma_start3A_70 : memref<1x32x1024xf32, #tpu.memory_space<hbm>> -> memref<32x1024xf32, #tpu.memory_space<hbm>>
      %dma_start3A_72 = arith.constant 0 : i32
      %dma_start3A_73 = tpu.memref_slice %arg4[%run_scoped3A_50, %add3A_49, %dma_start3A_72] : memref<2x2048x1024xf32, #tpu.memory_space<hbm>> -> memref<1x32x1024xf32, #tpu.memory_space<hbm>>
      %dma_start3A_74 = tpu.memref_squeeze %dma_start3A_73 : memref<1x32x1024xf32, #tpu.memory_space<hbm>> -> memref<32x1024xf32, #tpu.memory_space<hbm>>
      tpu.enqueue_dma source(%arg6 : memref<32x1024xf32, #tpu.memory_space<vmem>>) target(%dma_start3A_74 : memref<32x1024xf32, #tpu.memory_space<hbm>>) target_semaphore(%run_scoped3A_68 : memref<!tpu.dma_semaphore, #tpu.memory_space<semaphore_mem>>)
      %dma_wait3A_75 = arith.constant 0 : i32
      %dma_wait3A_76 = tpu.memref_slice %arg4[%run_scoped3A_50, %add3A_49, %dma_wait3A_75] : memref<2x2048x1024xf32, #tpu.memory_space<hbm>> -> memref<1x32x1024xf32, #tpu.memory_space<hbm>>
      %dma_wait3A_77 = tpu.memref_squeeze %dma_wait3A_76 : memref<1x32x1024xf32, #tpu.memory_space<hbm>> -> memref<32x1024xf32, #tpu.memory_space<hbm>>
      %dma_wait3A_78 = arith.constant 0 : i32
      %dma_wait3A_79 = tpu.memref_slice %arg4[%run_scoped3A_50, %add3A_49, %dma_wait3A_78] : memref<2x2048x1024xf32, #tpu.memory_space<hbm>> -> memref<1x32x1024xf32, #tpu.memory_space<hbm>>
      %dma_wait3A_80 = tpu.memref_squeeze %dma_wait3A_79 : memref<1x32x1024xf32, #tpu.memory_space<hbm>> -> memref<32x1024xf32, #tpu.memory_space<hbm>>
      tpu.wait_dma2 semaphore(%run_scoped3A_68 : memref<!tpu.dma_semaphore, #tpu.memory_space<semaphore_mem>>) src(%arg6 : memref<32x1024xf32, #tpu.memory_space<vmem>>) dst(%dma_wait3A_80 : memref<32x1024xf32, #tpu.memory_space<hbm>>)
      tpu.yield
    }) : () -> ()
    %dma_start3A_51 = arith.constant 1 : i32
    %dma_start3A_52 = arith.constant 32 : i32
    %dma_start3A_53 = tpu.memref_slice %arg5[%dma_start3A_51, %dma_start3A_52] : memref<2x64xi32, #tpu.memory_space<vmem>> -> memref<1x32xi32, #tpu.memory_space<vmem>>
    %dma_start3A_54 = tpu.memref_squeeze %dma_start3A_53 : memref<1x32xi32, #tpu.memory_space<vmem>> -> memref<32xi32, #tpu.memory_space<vmem>>
    %dma_start3A_55 = arith.constant 0 : i32
    %dma_start3A_56 = arith.constant 0 : i32
    %dma_start3A_57 = tpu.memref_slice %arg2[%dma_start3A_55, %dma_start3A_56] : memref<5120x1024xf32, #tpu.memory_space<hbm>> -> memref<5120x1024xf32, #tpu.memory_space<hbm>>
    tpu.enqueue_indirect_dma source(%dma_start3A_57 : memref<5120x1024xf32, #tpu.memory_space<hbm>>) target(%arg6 : memref<32x1024xf32, #tpu.memory_space<vmem>>) offsets(%dma_start3A_54 : memref<32xi32, #tpu.memory_space<vmem>>) semaphore(%arg7 : memref<!tpu.dma_semaphore, #tpu.memory_space<semaphore_mem>>)
    %dma_wait3A_58 = arith.constant 1 : i32
    %dma_wait3A_59 = arith.constant 32 : i32
    %dma_wait3A_60 = tpu.memref_slice %arg5[%dma_wait3A_58, %dma_wait3A_59] : memref<2x64xi32, #tpu.memory_space<vmem>> -> memref<1x32xi32, #tpu.memory_space<vmem>>
    %dma_wait3A_61 = tpu.memref_squeeze %dma_wait3A_60 : memref<1x32xi32, #tpu.memory_space<vmem>> -> memref<32xi32, #tpu.memory_space<vmem>>
    %dma_wait3A_62 = arith.constant 0 : i32
    %dma_wait3A_63 = arith.constant 0 : i32
    %dma_wait3A_64 = tpu.memref_slice %arg2[%dma_wait3A_62, %dma_wait3A_63] : memref<5120x1024xf32, #tpu.memory_space<hbm>> -> memref<5120x1024xf32, #tpu.memory_space<hbm>>
    tpu.wait_indirect_dma semaphore(%arg7 : memref<!tpu.dma_semaphore, #tpu.memory_space<semaphore_mem>>) src(%dma_wait3A_64 : memref<5120x1024xf32, #tpu.memory_space<hbm>>) dst(%arg6 : memref<32x1024xf32, #tpu.memory_space<vmem>>)
    %add3A_65 = arith.constant 32 : i32
    %add3A_66 = arith.addi %mul3A_2, %add3A_65 : i32
    %run_scoped3A_67 = arith.constant 1 : i32
    "tpu.region"() ({
      %run_scoped3A_68 = tpu.sem_alloc : memref<!tpu.dma_semaphore, #tpu.memory_space<semaphore_mem>>
      %dma_start3A_69 = arith.constant 0 : i32
      %dma_start3A_70 = tpu.memref_slice %arg4[%run_scoped3A_67, %add3A_66, %dma_start3A_69] : memref<2x2048x1024xf32, #tpu.memory_space<hbm>> -> memref<1x32x1024xf32, #tpu.memory_space<hbm>>
      %dma_start3A_71 = tpu.memref_squeeze %dma_start3A_70 : memref<1x32x1024xf32, #tpu.memory_space<hbm>> -> memref<32x1024xf32, #tpu.memory_space<hbm>>
      %dma_start3A_72 = arith.constant 0 : i32
      %dma_start3A_73 = tpu.memref_slice %arg4[%run_scoped3A_67, %add3A_66, %dma_start3A_72] : memref<2x2048x1024xf32, #tpu.memory_space<hbm>> -> memref<1x32x1024xf32, #tpu.memory_space<hbm>>
      %dma_start3A_74 = tpu.memref_squeeze %dma_start3A_73 : memref<1x32x1024xf32, #tpu.memory_space<hbm>> -> memref<32x1024xf32, #tpu.memory_space<hbm>>
      tpu.enqueue_dma source(%arg6 : memref<32x1024xf32, #tpu.memory_space<vmem>>) target(%dma_start3A_74 : memref<32x1024xf32, #tpu.memory_space<hbm>>) target_semaphore(%run_scoped3A_68 : memref<!tpu.dma_semaphore, #tpu.memory_space<semaphore_mem>>)
      %dma_wait3A_75 = arith.constant 0 : i32
      %dma_wait3A_76 = tpu.memref_slice %arg4[%run_scoped3A_67, %add3A_66, %dma_wait3A_75] : memref<2x2048x1024xf32, #tpu.memory_space<hbm>> -> memref<1x32x1024xf32, #tpu.memory_space<hbm>>
      %dma_wait3A_77 = tpu.memref_squeeze %dma_wait3A_76 : memref<1x32x1024xf32, #tpu.memory_space<hbm>> -> memref<32x1024xf32, #tpu.memory_space<hbm>>
      %dma_wait3A_78 = arith.constant 0 : i32
      %dma_wait3A_79 = tpu.memref_slice %arg4[%run_scoped3A_67, %add3A_66, %dma_wait3A_78] : memref<2x2048x1024xf32, #tpu.memory_space<hbm>> -> memref<1x32x1024xf32, #tpu.memory_space<hbm>>
      %dma_wait3A_80 = tpu.memref_squeeze %dma_wait3A_79 : memref<1x32x1024xf32, #tpu.memory_space<hbm>> -> memref<32x1024xf32, #tpu.memory_space<hbm>>
      tpu.wait_dma2 semaphore(%run_scoped3A_68 : memref<!tpu.dma_semaphore, #tpu.memory_space<semaphore_mem>>) src(%arg6 : memref<32x1024xf32, #tpu.memory_space<vmem>>) dst(%dma_wait3A_80 : memref<32x1024xf32, #tpu.memory_space<hbm>>)
      tpu.yield
    }) : () -> ()
    return
  }
}

#map = affine_map<(d0, d1) -> (0, 0)>
#map1 = affine_map<(d0, d1) -> (0, 0, 0)>
module attributes {stable_mosaic.version = 14 : i64} {
  func.func @_dispatch_kernel(%arg0: i32, %arg1: i32, %arg2: memref<2048x1024xf32, #tpu.memory_space<hbm>>, %arg3: memref<32x2x64xi32, #tpu.memory_space<hbm>>, %arg4: memref<5120x1024xf32, #tpu.memory_space<hbm>>, %arg5: memref<2x64xi32, #tpu.memory_space<vmem>>, %arg6: memref<64x1024xf32, #tpu.memory_space<vmem>>, %arg7: memref<!tpu.dma_semaphore, #tpu.memory_space<semaphore_mem>>) attributes {dimension_semantics = [#tpu.dimension_semantics<core_parallel>, #tpu.dimension_semantics<subcore_parallel>], iteration_bounds = array<i64: 2, 16>, scalar_prefetch = 0 : i64, scratch_operands = 3 : i64, tpu.core_type = #tpu.core_type<sc_vector_subcore>, window_params = [{transform_indices = #map}, {transform_indices = #map1}, {transform_indices = #map}]} {
    %mul3A = arith.constant 2 : i32
    %mul3A_0 = arith.muli %arg1, %mul3A : i32
    %add3A = arith.addi %mul3A_0, %arg0 : i32
    %mul3A_1 = arith.constant 64 : i32
    %mul3A_2 = arith.muli %add3A, %mul3A_1 : i32
    "tpu.region"() ({
      %run_scoped3A = tpu.sem_alloc : memref<!tpu.dma_semaphore, #tpu.memory_space<semaphore_mem>>
      %dma_start3A_29 = arith.constant 0 : i32
      %dma_start3A_30 = arith.constant 0 : i32
      %dma_start3A_31 = tpu.memref_slice %arg3[%add3A, %dma_start3A_29, %dma_start3A_30] : memref<32x2x64xi32, #tpu.memory_space<hbm>> -> memref<1x2x64xi32, #tpu.memory_space<hbm>>
      %dma_start3A_32 = tpu.memref_squeeze %dma_start3A_31 : memref<1x2x64xi32, #tpu.memory_space<hbm>> -> memref<2x64xi32, #tpu.memory_space<hbm>>
      %dma_start3A_33 = arith.constant 0 : i32
      %dma_start3A_34 = arith.constant 0 : i32
      %dma_start3A_35 = tpu.memref_slice %arg3[%add3A, %dma_start3A_33, %dma_start3A_34] : memref<32x2x64xi32, #tpu.memory_space<hbm>> -> memref<1x2x64xi32, #tpu.memory_space<hbm>>
      %dma_start3A_36 = tpu.memref_squeeze %dma_start3A_35 : memref<1x2x64xi32, #tpu.memory_space<hbm>> -> memref<2x64xi32, #tpu.memory_space<hbm>>
      tpu.enqueue_dma source(%dma_start3A_36 : memref<2x64xi32, #tpu.memory_space<hbm>>) target(%arg5 : memref<2x64xi32, #tpu.memory_space<vmem>>) target_semaphore(%run_scoped3A : memref<!tpu.dma_semaphore, #tpu.memory_space<semaphore_mem>>)
      %dma_wait3A_37 = arith.constant 0 : i32
      %dma_wait3A_38 = arith.constant 0 : i32
      %dma_wait3A_39 = tpu.memref_slice %arg3[%add3A, %dma_wait3A_37, %dma_wait3A_38] : memref<32x2x64xi32, #tpu.memory_space<hbm>> -> memref<1x2x64xi32, #tpu.memory_space<hbm>>
      %dma_wait3A_40 = tpu.memref_squeeze %dma_wait3A_39 : memref<1x2x64xi32, #tpu.memory_space<hbm>> -> memref<2x64xi32, #tpu.memory_space<hbm>>
      %dma_wait3A_41 = arith.constant 0 : i32
      %dma_wait3A_42 = arith.constant 0 : i32
      %dma_wait3A_43 = tpu.memref_slice %arg3[%add3A, %dma_wait3A_41, %dma_wait3A_42] : memref<32x2x64xi32, #tpu.memory_space<hbm>> -> memref<1x2x64xi32, #tpu.memory_space<hbm>>
      %dma_wait3A_44 = tpu.memref_squeeze %dma_wait3A_43 : memref<1x2x64xi32, #tpu.memory_space<hbm>> -> memref<2x64xi32, #tpu.memory_space<hbm>>
      tpu.wait_dma2 semaphore(%run_scoped3A : memref<!tpu.dma_semaphore, #tpu.memory_space<semaphore_mem>>) src(%dma_wait3A_44 : memref<2x64xi32, #tpu.memory_space<hbm>>) dst(%arg5 : memref<2x64xi32, #tpu.memory_space<vmem>>)
      tpu.yield
    }) : () -> ()
    "tpu.region"() ({
      %run_scoped3A = tpu.sem_alloc : memref<!tpu.dma_semaphore, #tpu.memory_space<semaphore_mem>>
      %dma_start3A_29 = arith.constant 0 : i32
      %dma_start3A_30 = tpu.memref_slice %arg2[%mul3A_2, %dma_start3A_29] : memref<2048x1024xf32, #tpu.memory_space<hbm>> -> memref<64x1024xf32, #tpu.memory_space<hbm>>
      %dma_start3A_31 = arith.constant 0 : i32
      %dma_start3A_32 = tpu.memref_slice %arg2[%mul3A_2, %dma_start3A_31] : memref<2048x1024xf32, #tpu.memory_space<hbm>> -> memref<64x1024xf32, #tpu.memory_space<hbm>>
      tpu.enqueue_dma source(%dma_start3A_32 : memref<64x1024xf32, #tpu.memory_space<hbm>>) target(%arg6 : memref<64x1024xf32, #tpu.memory_space<vmem>>) target_semaphore(%run_scoped3A : memref<!tpu.dma_semaphore, #tpu.memory_space<semaphore_mem>>)
      %dma_wait3A_33 = arith.constant 0 : i32
      %dma_wait3A_34 = tpu.memref_slice %arg2[%mul3A_2, %dma_wait3A_33] : memref<2048x1024xf32, #tpu.memory_space<hbm>> -> memref<64x1024xf32, #tpu.memory_space<hbm>>
      %dma_wait3A_35 = arith.constant 0 : i32
      %dma_wait3A_36 = tpu.memref_slice %arg2[%mul3A_2, %dma_wait3A_35] : memref<2048x1024xf32, #tpu.memory_space<hbm>> -> memref<64x1024xf32, #tpu.memory_space<hbm>>
      tpu.wait_dma2 semaphore(%run_scoped3A : memref<!tpu.dma_semaphore, #tpu.memory_space<semaphore_mem>>) src(%dma_wait3A_36 : memref<64x1024xf32, #tpu.memory_space<hbm>>) dst(%arg6 : memref<64x1024xf32, #tpu.memory_space<vmem>>)
      tpu.yield
    }) : () -> ()
    %dma_start3A = arith.constant 0 : i32
    %dma_start3A_3 = arith.constant 0 : i32
    %dma_start3A_4 = tpu.memref_slice %arg5[%dma_start3A, %dma_start3A_3] : memref<2x64xi32, #tpu.memory_space<vmem>> -> memref<1x64xi32, #tpu.memory_space<vmem>>
    %dma_start3A_5 = tpu.memref_squeeze %dma_start3A_4 : memref<1x64xi32, #tpu.memory_space<vmem>> -> memref<64xi32, #tpu.memory_space<vmem>>
    %dma_start3A_6 = arith.constant 0 : i32
    %dma_start3A_7 = arith.constant 0 : i32
    %dma_start3A_8 = tpu.memref_slice %arg4[%dma_start3A_6, %dma_start3A_7] : memref<5120x1024xf32, #tpu.memory_space<hbm>> -> memref<5120x1024xf32, #tpu.memory_space<hbm>>
    tpu.enqueue_indirect_dma source(%arg6 : memref<64x1024xf32, #tpu.memory_space<vmem>>) target(%dma_start3A_8 : memref<5120x1024xf32, #tpu.memory_space<hbm>>) offsets(%dma_start3A_5 : memref<64xi32, #tpu.memory_space<vmem>>) semaphore(%arg7 : memref<!tpu.dma_semaphore, #tpu.memory_space<semaphore_mem>>)
    %dma_wait3A = arith.constant 0 : i32
    %dma_wait3A_9 = arith.constant 0 : i32
    %dma_wait3A_10 = tpu.memref_slice %arg5[%dma_wait3A, %dma_wait3A_9] : memref<2x64xi32, #tpu.memory_space<vmem>> -> memref<1x64xi32, #tpu.memory_space<vmem>>
    %dma_wait3A_11 = tpu.memref_squeeze %dma_wait3A_10 : memref<1x64xi32, #tpu.memory_space<vmem>> -> memref<64xi32, #tpu.memory_space<vmem>>
    %dma_wait3A_12 = arith.constant 0 : i32
    %dma_wait3A_13 = arith.constant 0 : i32
    %dma_wait3A_14 = tpu.memref_slice %arg4[%dma_wait3A_12, %dma_wait3A_13] : memref<5120x1024xf32, #tpu.memory_space<hbm>> -> memref<5120x1024xf32, #tpu.memory_space<hbm>>
    tpu.wait_indirect_dma semaphore(%arg7 : memref<!tpu.dma_semaphore, #tpu.memory_space<semaphore_mem>>) src(%arg6 : memref<64x1024xf32, #tpu.memory_space<vmem>>) dst(%dma_wait3A_14 : memref<5120x1024xf32, #tpu.memory_space<hbm>>)
    %dma_start3A_15 = arith.constant 1 : i32
    %dma_start3A_16 = arith.constant 0 : i32
    %dma_start3A_17 = tpu.memref_slice %arg5[%dma_start3A_15, %dma_start3A_16] : memref<2x64xi32, #tpu.memory_space<vmem>> -> memref<1x64xi32, #tpu.memory_space<vmem>>
    %dma_start3A_18 = tpu.memref_squeeze %dma_start3A_17 : memref<1x64xi32, #tpu.memory_space<vmem>> -> memref<64xi32, #tpu.memory_space<vmem>>
    %dma_start3A_19 = arith.constant 0 : i32
    %dma_start3A_20 = arith.constant 0 : i32
    %dma_start3A_21 = tpu.memref_slice %arg4[%dma_start3A_19, %dma_start3A_20] : memref<5120x1024xf32, #tpu.memory_space<hbm>> -> memref<5120x1024xf32, #tpu.memory_space<hbm>>
    tpu.enqueue_indirect_dma source(%arg6 : memref<64x1024xf32, #tpu.memory_space<vmem>>) target(%dma_start3A_21 : memref<5120x1024xf32, #tpu.memory_space<hbm>>) offsets(%dma_start3A_18 : memref<64xi32, #tpu.memory_space<vmem>>) semaphore(%arg7 : memref<!tpu.dma_semaphore, #tpu.memory_space<semaphore_mem>>)
    %dma_wait3A_22 = arith.constant 1 : i32
    %dma_wait3A_23 = arith.constant 0 : i32
    %dma_wait3A_24 = tpu.memref_slice %arg5[%dma_wait3A_22, %dma_wait3A_23] : memref<2x64xi32, #tpu.memory_space<vmem>> -> memref<1x64xi32, #tpu.memory_space<vmem>>
    %dma_wait3A_25 = tpu.memref_squeeze %dma_wait3A_24 : memref<1x64xi32, #tpu.memory_space<vmem>> -> memref<64xi32, #tpu.memory_space<vmem>>
    %dma_wait3A_26 = arith.constant 0 : i32
    %dma_wait3A_27 = arith.constant 0 : i32
    %dma_wait3A_28 = tpu.memref_slice %arg4[%dma_wait3A_26, %dma_wait3A_27] : memref<5120x1024xf32, #tpu.memory_space<hbm>> -> memref<5120x1024xf32, #tpu.memory_space<hbm>>
    tpu.wait_indirect_dma semaphore(%arg7 : memref<!tpu.dma_semaphore, #tpu.memory_space<semaphore_mem>>) src(%arg6 : memref<64x1024xf32, #tpu.memory_space<vmem>>) dst(%dma_wait3A_28 : memref<5120x1024xf32, #tpu.memory_space<hbm>>)
    return
  }
}

module attributes {stable_mosaic.version = 14 : i64} {
  func.func @_router_kernel(%arg0: i32, %arg1: memref<2048x1024xf32, #tpu.memory_space<vmem>>, %arg2: memref<1024x8xf32, #tpu.memory_space<vmem>>, %arg3: memref<1x8xf32, #tpu.memory_space<vmem>>, %arg4: memref<2048x2xi32, #tpu.memory_space<vmem>>, %arg5: memref<2048x2xf32, #tpu.memory_space<vmem>>, %arg6: memref<1x40xi32, #tpu.memory_space<vmem>>) attributes {dimension_semantics = [#tpu.dimension_semantics<arbitrary>], iteration_bounds = array<i64: 1>, scalar_prefetch = 0 : i64, scratch_operands = 0 : i64, tpu.core_type = #tpu.core_type<tc>, window_params = [{pipeline_mode = #tpu.pipeline_mode<synchronous>, transform_indices = @transform_0, window_bounds = array<i64: 2048, 1024>}, {pipeline_mode = #tpu.pipeline_mode<synchronous>, transform_indices = @transform_1, window_bounds = array<i64: 1024, 8>}, {pipeline_mode = #tpu.pipeline_mode<synchronous>, transform_indices = @transform_2, window_bounds = array<i64: 1, 8>}, {pipeline_mode = #tpu.pipeline_mode<synchronous>, transform_indices = @transform_3, window_bounds = array<i64: 2048, 2>}, {pipeline_mode = #tpu.pipeline_mode<synchronous>, transform_indices = @transform_4, window_bounds = array<i64: 2048, 2>}, {pipeline_mode = #tpu.pipeline_mode<synchronous>, transform_indices = @transform_5, window_bounds = array<i64: 1, 40>}]} {
    %get3A = arith.constant 0 : index
    %get3A_0 = arith.constant 0 : index
    %get3A_1 = vector.load %arg1[%get3A, %get3A_0] : memref<2048x1024xf32, #tpu.memory_space<vmem>>, vector<2048x1024xf32>
    %get3A_2 = arith.constant 0 : index
    %get3A_3 = arith.constant 0 : index
    %get3A_4 = vector.load %arg2[%get3A_2, %get3A_3] : memref<1024x8xf32, #tpu.memory_space<vmem>>, vector<1024x8xf32>
    %dot_general3A = arith.constant dense<0.000000e+00> : vector<2048x8xf32>
    %dot_general3A_5 = tpu.matmul %get3A_1, %get3A_4, %dot_general3A {dimension_numbers = #tpu.dot_dimension_numbers<[1], [0], [0], [1], [0, 0, 1, 1], [], []>, transpose_lhs_hint = false} : vector<2048x1024xf32>, vector<1024x8xf32>, vector<2048x8xf32> -> vector<2048x8xf32>
    %get3A_6 = arith.constant 0 : index
    %get3A_7 = arith.constant 0 : index
    %get3A_8 = vector.load %arg3[%get3A_6, %get3A_7] : memref<1x8xf32, #tpu.memory_space<vmem>>, vector<1x8xf32>
    %add3A = vector.broadcast %get3A_8 : vector<1x8xf32> to vector<2048x8xf32>
    %add3A_9 = arith.addf %dot_general3A_5, %add3A : vector<2048x8xf32>
    %reduce_max3A = arith.constant dense<0xFF800000> : vector<2048xf32>
    %reduce_max3A_10 = vector.multi_reduction <maximumf>, %add3A_9, %reduce_max3A [1] : vector<2048x8xf32> to vector<2048xf32>
    %max3A = arith.constant 0xFF800000 : f32
    %max3A_11 = vector.broadcast %max3A : f32 to vector<2048xf32>
    %max3A_12 = arith.maximumf %max3A_11, %reduce_max3A_10 : vector<2048xf32>
    %broadcast_in_dim3A = vector.shape_cast %max3A_12 : vector<2048xf32> to vector<2048x1xf32>
    %sub3A = vector.broadcast %broadcast_in_dim3A : vector<2048x1xf32> to vector<2048x8xf32>
    %sub3A_13 = arith.subf %add3A_9, %sub3A : vector<2048x8xf32>
    %exp3A = math.exp %sub3A_13 : vector<2048x8xf32>
    %reduce_sum3A = arith.constant dense<0.000000e+00> : vector<2048xf32>
    %reduce_sum3A_14 = vector.multi_reduction <add>, %exp3A, %reduce_sum3A [1] : vector<2048x8xf32> to vector<2048xf32>
    %broadcast_in_dim3A_15 = vector.shape_cast %reduce_sum3A_14 : vector<2048xf32> to vector<2048x1xf32>
    %div3A = vector.broadcast %broadcast_in_dim3A_15 : vector<2048x1xf32> to vector<2048x8xf32>
    %div3A_16 = arith.divf %exp3A, %div3A : vector<2048x8xf32>
    %argmax3A = tpu.reduce_index %div3A_16 {axis = 1 : i32, kind = #tpu.reduction_kind<arg_max>} : vector<2048x8xf32> -> vector<2048xi32>
    %reduce_max3A_17 = arith.constant dense<0xFF800000> : vector<2048xf32>
    %reduce_max3A_18 = vector.multi_reduction <maximumf>, %div3A_16, %reduce_max3A_17 [1] : vector<2048x8xf32> to vector<2048xf32>
    %iota3A = tpu.iota {dimensions = array<i32: 1>} : vector<2048x8xi32>
    %broadcast_in_dim3A_19 = vector.shape_cast %argmax3A : vector<2048xi32> to vector<2048x1xi32>
    %eq3A = vector.broadcast %broadcast_in_dim3A_19 : vector<2048x1xi32> to vector<2048x8xi32>
    %eq3A_20 = arith.cmpi eq, %iota3A, %eq3A : vector<2048x8xi32>
    %jit3A = arith.constant 0xFF800000 : f32
    %broadcast_in_dim3A_21 = vector.broadcast %jit3A : f32 to vector<2048x8xf32>
    %select_n3A = arith.select %eq3A_20, %broadcast_in_dim3A_21, %div3A_16 : vector<2048x8xi1>, vector<2048x8xf32>
    %argmax3A_22 = tpu.reduce_index %select_n3A {axis = 1 : i32, kind = #tpu.reduction_kind<arg_max>} : vector<2048x8xf32> -> vector<2048xi32>
    %reduce_max3A_23 = arith.constant dense<0xFF800000> : vector<2048xf32>
    %reduce_max3A_24 = vector.multi_reduction <maximumf>, %select_n3A, %reduce_max3A_23 [1] : vector<2048x8xf32> to vector<2048xf32>
    %add3A_25 = arith.addf %reduce_max3A_18, %reduce_max3A_24 : vector<2048xf32>
    %div3A_26 = arith.divf %reduce_max3A_18, %add3A_25 : vector<2048xf32>
    %div3A_27 = arith.divf %reduce_max3A_24, %add3A_25 : vector<2048xf32>
    %broadcast_in_dim3A_28 = vector.shape_cast %argmax3A : vector<2048xi32> to vector<2048x1xi32>
    %eq3A_29 = vector.broadcast %broadcast_in_dim3A_28 : vector<2048x1xi32> to vector<2048x8xi32>
    %eq3A_30 = arith.cmpi eq, %iota3A, %eq3A_29 : vector<2048x8xi32>
    %convert_element_type3A = arith.extui %eq3A_30 : vector<2048x8xi1> to vector<2048x8xi32>
    %convert_element_type3A_31 = arith.sitofp %convert_element_type3A : vector<2048x8xi32> to vector<2048x8xf32>
    %broadcast_in_dim3A_32 = vector.shape_cast %argmax3A_22 : vector<2048xi32> to vector<2048x1xi32>
    %eq3A_33 = vector.broadcast %broadcast_in_dim3A_32 : vector<2048x1xi32> to vector<2048x8xi32>
    %eq3A_34 = arith.cmpi eq, %iota3A, %eq3A_33 : vector<2048x8xi32>
    %convert_element_type3A_35 = arith.extui %eq3A_34 : vector<2048x8xi1> to vector<2048x8xi32>
    %convert_element_type3A_36 = arith.sitofp %convert_element_type3A_35 : vector<2048x8xi32> to vector<2048x8xf32>
    %add3A_37 = arith.addf %convert_element_type3A_31, %convert_element_type3A_36 : vector<2048x8xf32>
    %broadcast_in_dim3A_38 = arith.constant 0.000000e+00 : f32
    %broadcast_in_dim3A_39 = vector.broadcast %broadcast_in_dim3A_38 : f32 to vector<1x8xf32>
    %slice3A = vector.extract_strided_slice %add3A_37 {offsets = [0, 0], sizes = [2047, 8], strides = [1, 1]} : vector<2048x8xf32> to vector<2047x8xf32>
    %concatenate3A = tpu.concatenate %broadcast_in_dim3A_39, %slice3A in 0 : vector<1x8xf32>, vector<2047x8xf32> -> vector<2048x8xf32>
    %add3A_40 = arith.addf %add3A_37, %concatenate3A : vector<2048x8xf32>
    %broadcast_in_dim3A_41 = arith.constant 0.000000e+00 : f32
    %broadcast_in_dim3A_42 = vector.broadcast %broadcast_in_dim3A_41 : f32 to vector<2x8xf32>
    %slice3A_43 = vector.extract_strided_slice %add3A_40 {offsets = [0, 0], sizes = [2046, 8], strides = [1, 1]} : vector<2048x8xf32> to vector<2046x8xf32>
    %concatenate3A_44 = tpu.concatenate %broadcast_in_dim3A_42, %slice3A_43 in 0 : vector<2x8xf32>, vector<2046x8xf32> -> vector<2048x8xf32>
    %add3A_45 = arith.addf %add3A_40, %concatenate3A_44 : vector<2048x8xf32>
    %broadcast_in_dim3A_46 = arith.constant 0.000000e+00 : f32
    %broadcast_in_dim3A_47 = vector.broadcast %broadcast_in_dim3A_46 : f32 to vector<4x8xf32>
    %slice3A_48 = vector.extract_strided_slice %add3A_45 {offsets = [0, 0], sizes = [2044, 8], strides = [1, 1]} : vector<2048x8xf32> to vector<2044x8xf32>
    %concatenate3A_49 = tpu.concatenate %broadcast_in_dim3A_47, %slice3A_48 in 0 : vector<4x8xf32>, vector<2044x8xf32> -> vector<2048x8xf32>
    %add3A_50 = arith.addf %add3A_45, %concatenate3A_49 : vector<2048x8xf32>
    %broadcast_in_dim3A_51 = arith.constant 0.000000e+00 : f32
    %broadcast_in_dim3A_52 = vector.broadcast %broadcast_in_dim3A_51 : f32 to vector<8x8xf32>
    %slice3A_53 = vector.extract_strided_slice %add3A_50 {offsets = [0, 0], sizes = [2040, 8], strides = [1, 1]} : vector<2048x8xf32> to vector<2040x8xf32>
    %concatenate3A_54 = tpu.concatenate %broadcast_in_dim3A_52, %slice3A_53 in 0 : vector<8x8xf32>, vector<2040x8xf32> -> vector<2048x8xf32>
    %add3A_55 = arith.addf %add3A_50, %concatenate3A_54 : vector<2048x8xf32>
    %broadcast_in_dim3A_56 = arith.constant 0.000000e+00 : f32
    %broadcast_in_dim3A_57 = vector.broadcast %broadcast_in_dim3A_56 : f32 to vector<16x8xf32>
    %slice3A_58 = vector.extract_strided_slice %add3A_55 {offsets = [0, 0], sizes = [2032, 8], strides = [1, 1]} : vector<2048x8xf32> to vector<2032x8xf32>
    %concatenate3A_59 = tpu.concatenate %broadcast_in_dim3A_57, %slice3A_58 in 0 : vector<16x8xf32>, vector<2032x8xf32> -> vector<2048x8xf32>
    %add3A_60 = arith.addf %add3A_55, %concatenate3A_59 : vector<2048x8xf32>
    %broadcast_in_dim3A_61 = arith.constant 0.000000e+00 : f32
    %broadcast_in_dim3A_62 = vector.broadcast %broadcast_in_dim3A_61 : f32 to vector<32x8xf32>
    %slice3A_63 = vector.extract_strided_slice %add3A_60 {offsets = [0, 0], sizes = [2016, 8], strides = [1, 1]} : vector<2048x8xf32> to vector<2016x8xf32>
    %concatenate3A_64 = tpu.concatenate %broadcast_in_dim3A_62, %slice3A_63 in 0 : vector<32x8xf32>, vector<2016x8xf32> -> vector<2048x8xf32>
    %add3A_65 = arith.addf %add3A_60, %concatenate3A_64 : vector<2048x8xf32>
    %broadcast_in_dim3A_66 = arith.constant 0.000000e+00 : f32
    %broadcast_in_dim3A_67 = vector.broadcast %broadcast_in_dim3A_66 : f32 to vector<64x8xf32>
    %slice3A_68 = vector.extract_strided_slice %add3A_65 {offsets = [0, 0], sizes = [1984, 8], strides = [1, 1]} : vector<2048x8xf32> to vector<1984x8xf32>
    %concatenate3A_69 = tpu.concatenate %broadcast_in_dim3A_67, %slice3A_68 in 0 : vector<64x8xf32>, vector<1984x8xf32> -> vector<2048x8xf32>
    %add3A_70 = arith.addf %add3A_65, %concatenate3A_69 : vector<2048x8xf32>
    %broadcast_in_dim3A_71 = arith.constant 0.000000e+00 : f32
    %broadcast_in_dim3A_72 = vector.broadcast %broadcast_in_dim3A_71 : f32 to vector<128x8xf32>
    %slice3A_73 = vector.extract_strided_slice %add3A_70 {offsets = [0, 0], sizes = [1920, 8], strides = [1, 1]} : vector<2048x8xf32> to vector<1920x8xf32>
    %concatenate3A_74 = tpu.concatenate %broadcast_in_dim3A_72, %slice3A_73 in 0 : vector<128x8xf32>, vector<1920x8xf32> -> vector<2048x8xf32>
    %add3A_75 = arith.addf %add3A_70, %concatenate3A_74 : vector<2048x8xf32>
    %broadcast_in_dim3A_76 = arith.constant 0.000000e+00 : f32
    %broadcast_in_dim3A_77 = vector.broadcast %broadcast_in_dim3A_76 : f32 to vector<256x8xf32>
    %slice3A_78 = vector.extract_strided_slice %add3A_75 {offsets = [0, 0], sizes = [1792, 8], strides = [1, 1]} : vector<2048x8xf32> to vector<1792x8xf32>
    %concatenate3A_79 = tpu.concatenate %broadcast_in_dim3A_77, %slice3A_78 in 0 : vector<256x8xf32>, vector<1792x8xf32> -> vector<2048x8xf32>
    %add3A_80 = arith.addf %add3A_75, %concatenate3A_79 : vector<2048x8xf32>
    %broadcast_in_dim3A_81 = arith.constant 0.000000e+00 : f32
    %broadcast_in_dim3A_82 = vector.broadcast %broadcast_in_dim3A_81 : f32 to vector<512x8xf32>
    %slice3A_83 = vector.extract_strided_slice %add3A_80 {offsets = [0, 0], sizes = [1536, 8], strides = [1, 1]} : vector<2048x8xf32> to vector<1536x8xf32>
    %concatenate3A_84 = tpu.concatenate %broadcast_in_dim3A_82, %slice3A_83 in 0 : vector<512x8xf32>, vector<1536x8xf32> -> vector<2048x8xf32>
    %add3A_85 = arith.addf %add3A_80, %concatenate3A_84 : vector<2048x8xf32>
    %broadcast_in_dim3A_86 = arith.constant 0.000000e+00 : f32
    %broadcast_in_dim3A_87 = vector.broadcast %broadcast_in_dim3A_86 : f32 to vector<1024x8xf32>
    %slice3A_88 = vector.extract_strided_slice %add3A_85 {offsets = [0, 0], sizes = [1024, 8], strides = [1, 1]} : vector<2048x8xf32> to vector<1024x8xf32>
    %concatenate3A_89 = tpu.concatenate %broadcast_in_dim3A_87, %slice3A_88 in 0 : vector<1024x8xf32>, vector<1024x8xf32> -> vector<2048x8xf32>
    %add3A_90 = arith.addf %add3A_85, %concatenate3A_89 : vector<2048x8xf32>
    %sub3A_91 = arith.subf %add3A_90, %add3A_37 : vector<2048x8xf32>
    %slice3A_92 = vector.extract_strided_slice %add3A_90 {offsets = [2047, 0], sizes = [1, 8], strides = [1, 1]} : vector<2048x8xf32> to vector<1x8xf32>
    %add3A_93 = arith.constant 1.270000e+02 : f32
    %add3A_94 = vector.broadcast %add3A_93 : f32 to vector<1x8xf32>
    %add3A_95 = arith.addf %slice3A_92, %add3A_94 : vector<1x8xf32>
    %div3A_96 = arith.constant 1.280000e+02 : f32
    %div3A_97 = vector.broadcast %div3A_96 : f32 to vector<1x8xf32>
    %div3A_98 = arith.divf %add3A_95, %div3A_97 : vector<1x8xf32>
    %floor3A = math.floor %div3A_98 : vector<1x8xf32>
    %broadcast_in_dim3A_99 = arith.constant 0.000000e+00 : f32
    %broadcast_in_dim3A_100 = vector.broadcast %broadcast_in_dim3A_99 : f32 to vector<1x1xf32>
    %slice3A_101 = vector.extract_strided_slice %floor3A {offsets = [0, 0], sizes = [1, 7], strides = [1, 1]} : vector<1x8xf32> to vector<1x7xf32>
    %concatenate3A_102 = tpu.concatenate %broadcast_in_dim3A_100, %slice3A_101 in 1 : vector<1x1xf32>, vector<1x7xf32> -> vector<1x8xf32>
    %add3A_103 = arith.addf %floor3A, %concatenate3A_102 : vector<1x8xf32>
    %broadcast_in_dim3A_104 = arith.constant 0.000000e+00 : f32
    %broadcast_in_dim3A_105 = vector.broadcast %broadcast_in_dim3A_104 : f32 to vector<1x2xf32>
    %slice3A_106 = vector.extract_strided_slice %add3A_103 {offsets = [0, 0], sizes = [1, 6], strides = [1, 1]} : vector<1x8xf32> to vector<1x6xf32>
    %concatenate3A_107 = tpu.concatenate %broadcast_in_dim3A_105, %slice3A_106 in 1 : vector<1x2xf32>, vector<1x6xf32> -> vector<1x8xf32>
    %add3A_108 = arith.addf %add3A_103, %concatenate3A_107 : vector<1x8xf32>
    %broadcast_in_dim3A_109 = arith.constant 0.000000e+00 : f32
    %broadcast_in_dim3A_110 = vector.broadcast %broadcast_in_dim3A_109 : f32 to vector<1x4xf32>
    %slice3A_111 = vector.extract_strided_slice %add3A_108 {offsets = [0, 0], sizes = [1, 4], strides = [1, 1]} : vector<1x8xf32> to vector<1x4xf32>
    %concatenate3A_112 = tpu.concatenate %broadcast_in_dim3A_110, %slice3A_111 in 1 : vector<1x4xf32>, vector<1x4xf32> -> vector<1x8xf32>
    %add3A_113 = arith.addf %add3A_108, %concatenate3A_112 : vector<1x8xf32>
    %sub3A_114 = arith.subf %add3A_113, %floor3A : vector<1x8xf32>
    %mul3A = arith.constant 1.280000e+02 : f32
    %mul3A_115 = vector.broadcast %mul3A : f32 to vector<1x8xf32>
    %mul3A_116 = arith.mulf %sub3A_114, %mul3A_115 : vector<1x8xf32>
    %add3A_117 = vector.broadcast %mul3A_116 : vector<1x8xf32> to vector<2048x8xf32>
    %add3A_118 = arith.addf %add3A_117, %sub3A_91 : vector<2048x8xf32>
    %mul3A_119 = arith.mulf %convert_element_type3A_31, %add3A_118 : vector<2048x8xf32>
    %reduce_sum3A_120 = arith.constant dense<0.000000e+00> : vector<2048xf32>
    %reduce_sum3A_121 = vector.multi_reduction <add>, %mul3A_119, %reduce_sum3A_120 [1] : vector<2048x8xf32> to vector<2048xf32>
    %broadcast_in_dim3A_122 = vector.shape_cast %reduce_sum3A_121 : vector<2048xf32> to vector<2048x1xf32>
    %add3A_123 = vector.broadcast %mul3A_116 : vector<1x8xf32> to vector<2048x8xf32>
    %add3A_124 = arith.addf %add3A_123, %sub3A_91 : vector<2048x8xf32>
    %mul3A_125 = arith.mulf %convert_element_type3A_36, %add3A_124 : vector<2048x8xf32>
    %reduce_sum3A_126 = arith.constant dense<0.000000e+00> : vector<2048xf32>
    %reduce_sum3A_127 = vector.multi_reduction <add>, %mul3A_125, %reduce_sum3A_126 [1] : vector<2048x8xf32> to vector<2048xf32>
    %broadcast_in_dim3A_128 = vector.shape_cast %reduce_sum3A_127 : vector<2048xf32> to vector<2048x1xf32>
    %convert_element_type3A_129 = arith.fptosi %broadcast_in_dim3A_122 : vector<2048x1xf32> to vector<2048x1xi32>
    %swap3A = arith.constant 0 : index
    %swap3A_130 = arith.constant 0 : index
    %swap3A_131 = vector.load %arg4[%swap3A, %swap3A_130] : memref<2048x2xi32, #tpu.memory_space<vmem>>, vector<2048x1xi32>
    tpu.vector_store %arg4[%swap3A, %swap3A_130], %convert_element_type3A_129 {strides = array<i32>} : memref<2048x2xi32, #tpu.memory_space<vmem>>, vector<2048x1xi32>,
    %convert_element_type3A_132 = arith.fptosi %broadcast_in_dim3A_128 : vector<2048x1xf32> to vector<2048x1xi32>
    %swap3A_133 = arith.constant 0 : index
    %swap3A_134 = arith.constant 1 : index
    %swap3A_135 = vector.load %arg4[%swap3A_133, %swap3A_134] : memref<2048x2xi32, #tpu.memory_space<vmem>>, vector<2048x1xi32>
    tpu.vector_store %arg4[%swap3A_133, %swap3A_134], %convert_element_type3A_132 {strides = array<i32>} : memref<2048x2xi32, #tpu.memory_space<vmem>>, vector<2048x1xi32>,
    %broadcast_in_dim3A_136 = vector.shape_cast %div3A_26 : vector<2048xf32> to vector<2048x1xf32>
    %swap3A_137 = arith.constant 0 : index
    %swap3A_138 = arith.constant 0 : index
    %swap3A_139 = vector.load %arg5[%swap3A_137, %swap3A_138] : memref<2048x2xf32, #tpu.memory_space<vmem>>, vector<2048x1xf32>
    tpu.vector_store %arg5[%swap3A_137, %swap3A_138], %broadcast_in_dim3A_136 {strides = array<i32>} : memref<2048x2xf32, #tpu.memory_space<vmem>>, vector<2048x1xf32>,
    %broadcast_in_dim3A_140 = vector.shape_cast %div3A_27 : vector<2048xf32> to vector<2048x1xf32>
    %swap3A_141 = arith.constant 0 : index
    %swap3A_142 = arith.constant 1 : index
    %swap3A_143 = vector.load %arg5[%swap3A_141, %swap3A_142] : memref<2048x2xf32, #tpu.memory_space<vmem>>, vector<2048x1xf32>
    tpu.vector_store %arg5[%swap3A_141, %swap3A_142], %broadcast_in_dim3A_140 {strides = array<i32>} : memref<2048x2xf32, #tpu.memory_space<vmem>>, vector<2048x1xf32>,
    %add3A_144 = arith.addf %sub3A_114, %floor3A : vector<1x8xf32>
    %iota3A_145 = tpu.iota {dimensions = array<i32: 1>} : vector<8x40xi32>
    %convert_element_type3A_146 = arith.sitofp %iota3A_145 : vector<8x40xi32> to vector<8x40xf32>
    %reshape3A = vector.shape_cast %add3A_144 : vector<1x8xf32> to vector<8x1xf32>
    %le3A = vector.broadcast %reshape3A : vector<8x1xf32> to vector<8x40xf32>
    %le3A_147 = arith.cmpf ole, %le3A, %convert_element_type3A_146 : vector<8x40xf32>
    %convert_element_type3A_148 = arith.extui %le3A_147 : vector<8x40xi1> to vector<8x40xi32>
    %convert_element_type3A_149 = arith.sitofp %convert_element_type3A_148 : vector<8x40xi32> to vector<8x40xf32>
    %reduce_sum3A_150 = arith.constant dense<0.000000e+00> : vector<40xf32>
    %reduce_sum3A_151 = vector.multi_reduction <add>, %convert_element_type3A_149, %reduce_sum3A_150 [0] : vector<8x40xf32> to vector<40xf32>
    %broadcast_in_dim3A_152 = vector.shape_cast %reduce_sum3A_151 : vector<40xf32> to vector<1x40xf32>
    %min3A = arith.constant 7.000000e+00 : f32
    %min3A_153 = vector.broadcast %min3A : f32 to vector<1x40xf32>
    %min3A_154 = arith.minimumf %broadcast_in_dim3A_152, %min3A_153 : vector<1x40xf32>
    %convert_element_type3A_155 = arith.fptosi %min3A_154 : vector<1x40xf32> to vector<1x40xi32>
    %swap3A_156 = arith.constant 0 : index
    %swap3A_157 = arith.constant 0 : index
    %swap3A_158 = vector.load %arg6[%swap3A_156, %swap3A_157] : memref<1x40xi32, #tpu.memory_space<vmem>>, vector<1x40xi32>
    tpu.vector_store %arg6[%swap3A_156, %swap3A_157], %convert_element_type3A_155 {strides = array<i32>} : memref<1x40xi32, #tpu.memory_space<vmem>>, vector<1x40xi32>,
    return
  }
  func.func @transform_0(%arg0: i32) -> (i32, i32) {
    %c0_i32 = arith.constant 0 : i32
    %c0_i32_0 = arith.constant 0 : i32
    %c0_i32_1 = arith.constant 0 : i32
    return %c0_i32, %c0_i32_0 : i32, i32
  }
  func.func @transform_1(%arg0: i32) -> (i32, i32) {
    %c0_i32 = arith.constant 0 : i32
    %c0_i32_0 = arith.constant 0 : i32
    %c0_i32_1 = arith.constant 0 : i32
    return %c0_i32, %c0_i32_0 : i32, i32
  }
  func.func @transform_2(%arg0: i32) -> (i32, i32) {
    %c0_i32 = arith.constant 0 : i32
    %c0_i32_0 = arith.constant 0 : i32
    %c0_i32_1 = arith.constant 0 : i32
    return %c0_i32, %c0_i32_0 : i32, i32
  }
  func.func @transform_3(%arg0: i32) -> (i32, i32) {
    %c0_i32 = arith.constant 0 : i32
    %c0_i32_0 = arith.constant 0 : i32
    %c0_i32_1 = arith.constant 0 : i32
    return %c0_i32, %c0_i32_0 : i32, i32
  }
  func.func @transform_4(%arg0: i32) -> (i32, i32) {
    %c0_i32 = arith.constant 0 : i32
    %c0_i32_0 = arith.constant 0 : i32
    %c0_i32_1 = arith.constant 0 : i32
    return %c0_i32, %c0_i32_0 : i32, i32
  }
  func.func @transform_5(%arg0: i32) -> (i32, i32) {
    %c0_i32 = arith.constant 0 : i32
    %c0_i32_0 = arith.constant 0 : i32
    %c0_i32_1 = arith.constant 0 : i32
    return %c0_i32, %c0_i32_0 : i32, i32
  }
}

module attributes {stable_mosaic.version = 14 : i64} {
  func.func @_gm_kernel(%arg0: i32, %arg1: memref<40xi32, #tpu.memory_space<smem>>, %arg2: memref<128x1024xf32, #tpu.memory_space<vmem>>, %arg3: memref<1x1024x4096xbf16, #tpu.memory_space<vmem>>, %arg4: memref<1x1x4096xf32, #tpu.memory_space<vmem>>, %arg5: memref<1x2048x1024xbf16, #tpu.memory_space<vmem>>, %arg6: memref<1x1x1024xf32, #tpu.memory_space<vmem>>, %arg7: memref<128x1024xf32, #tpu.memory_space<vmem>>) attributes {dimension_semantics = [#tpu.dimension_semantics<arbitrary>], iteration_bounds = array<i64: 40>, scalar_prefetch = 1 : i64, scratch_operands = 0 : i64, tpu.core_type = #tpu.core_type<tc>, window_params = [{transform_indices = @transform_0, window_bounds = array<i64: 128, 1024>}, {transform_indices = @transform_1, window_bounds = array<i64: 1, 1024, 4096>}, {transform_indices = @transform_2, window_bounds = array<i64: 1, 1, 4096>}, {transform_indices = @transform_3, window_bounds = array<i64: 1, 2048, 1024>}, {transform_indices = @transform_4, window_bounds = array<i64: 1, 1, 1024>}, {transform_indices = @transform_5, window_bounds = array<i64: 128, 1024>}]} {
    %get3A = arith.constant 0 : index
    %get3A_0 = arith.constant 0 : index
    %get3A_1 = vector.load %arg2[%get3A, %get3A_0] : memref<128x1024xf32, #tpu.memory_space<vmem>>, vector<128x1024xf32>
    %convert_element_type3A = arith.truncf %get3A_1 : vector<128x1024xf32> to vector<128x1024xbf16>
    %get3A_2 = arith.constant 0 : index
    %get3A_3 = arith.constant 0 : index
    %get3A_4 = arith.constant 0 : index
    %get3A_5 = vector.load %arg3[%get3A_2, %get3A_3, %get3A_4] : memref<1x1024x4096xbf16, #tpu.memory_space<vmem>>, vector<1x1024x4096xbf16>
    %get3A_6 = vector.shape_cast %get3A_5 : vector<1x1024x4096xbf16> to vector<1024x4096xbf16>
    %dot_general3A = arith.constant dense<0.000000e+00> : vector<128x4096xf32>
    %dot_general3A_7 = tpu.matmul %convert_element_type3A, %get3A_6, %dot_general3A {dimension_numbers = #tpu.dot_dimension_numbers<[1], [0], [0], [1], [0, 0, 1, 1], [], []>, transpose_lhs_hint = false} : vector<128x1024xbf16>, vector<1024x4096xbf16>, vector<128x4096xf32> -> vector<128x4096xf32>
    %get3A_8 = arith.constant 0 : index
    %get3A_9 = arith.constant 0 : index
    %get3A_10 = arith.constant 0 : index
    %get3A_11 = vector.load %arg4[%get3A_8, %get3A_9, %get3A_10] : memref<1x1x4096xf32, #tpu.memory_space<vmem>>, vector<1x1x4096xf32>
    %get3A_12 = vector.shape_cast %get3A_11 : vector<1x1x4096xf32> to vector<1x4096xf32>
    %add3A = vector.broadcast %get3A_12 : vector<1x4096xf32> to vector<128x4096xf32>
    %add3A_13 = arith.addf %dot_general3A_7, %add3A : vector<128x4096xf32>
    %iota3A = tpu.iota {dimensions = array<i32: 0>} : vector<512x256xi32>
    %iota3A_14 = tpu.iota {dimensions = array<i32: 1>} : vector<512x256xi32>
    %mul3A = arith.constant 2 : i32
    %mul3A_15 = vector.broadcast %mul3A : i32 to vector<512x256xi32>
    %mul3A_16 = arith.muli %mul3A_15, %iota3A_14 : vector<512x256xi32>
    %eq3A = arith.cmpi eq, %iota3A, %mul3A_16 : vector<512x256xi32>
    %convert_element_type3A_17 = arith.extui %eq3A : vector<512x256xi1> to vector<512x256xi32>
    %convert_element_type3A_18 = arith.sitofp %convert_element_type3A_17 : vector<512x256xi32> to vector<512x256xf32>
    %convert_element_type3A_19 = arith.truncf %convert_element_type3A_18 : vector<512x256xf32> to vector<512x256xbf16>
    %mul3A_20 = arith.constant 2 : i32
    %mul3A_21 = vector.broadcast %mul3A_20 : i32 to vector<512x256xi32>
    %mul3A_22 = arith.muli %mul3A_21, %iota3A_14 : vector<512x256xi32>
    %add3A_23 = arith.constant 1 : i32
    %add3A_24 = vector.broadcast %add3A_23 : i32 to vector<512x256xi32>
    %add3A_25 = arith.addi %mul3A_22, %add3A_24 : vector<512x256xi32>
    %eq3A_26 = arith.cmpi eq, %iota3A, %add3A_25 : vector<512x256xi32>
    %convert_element_type3A_27 = arith.extui %eq3A_26 : vector<512x256xi1> to vector<512x256xi32>
    %convert_element_type3A_28 = arith.sitofp %convert_element_type3A_27 : vector<512x256xi32> to vector<512x256xf32>
    %convert_element_type3A_29 = arith.truncf %convert_element_type3A_28 : vector<512x256xf32> to vector<512x256xbf16>
    %slice3A = vector.extract_strided_slice %add3A_13 {offsets = [0, 0], sizes = [128, 512], strides = [1, 1]} : vector<128x4096xf32> to vector<128x512xf32>
    %convert_element_type3A_30 = arith.truncf %slice3A : vector<128x512xf32> to vector<128x512xbf16>
    %dot_general3A_31 = arith.constant dense<0.000000e+00> : vector<128x256xf32>
    %dot_general3A_32 = tpu.matmul %convert_element_type3A_30, %convert_element_type3A_19, %dot_general3A_31 {dimension_numbers = #tpu.dot_dimension_numbers<[1], [0], [0], [1], [0, 0, 1, 1], [], []>, transpose_lhs_hint = false} : vector<128x512xbf16>, vector<512x256xbf16>, vector<128x256xf32> -> vector<128x256xf32>
    %dot_general3A_33 = arith.constant dense<0.000000e+00> : vector<128x256xf32>
    %dot_general3A_34 = tpu.matmul %convert_element_type3A_30, %convert_element_type3A_29, %dot_general3A_33 {dimension_numbers = #tpu.dot_dimension_numbers<[1], [0], [0], [1], [0, 0, 1, 1], [], []>, transpose_lhs_hint = false} : vector<128x512xbf16>, vector<512x256xbf16>, vector<128x256xf32> -> vector<128x256xf32>
    %slice3A_35 = vector.extract_strided_slice %add3A_13 {offsets = [0, 512], sizes = [128, 512], strides = [1, 1]} : vector<128x4096xf32> to vector<128x512xf32>
    %convert_element_type3A_36 = arith.truncf %slice3A_35 : vector<128x512xf32> to vector<128x512xbf16>
    %dot_general3A_37 = arith.constant dense<0.000000e+00> : vector<128x256xf32>
    %dot_general3A_38 = tpu.matmul %convert_element_type3A_36, %convert_element_type3A_19, %dot_general3A_37 {dimension_numbers = #tpu.dot_dimension_numbers<[1], [0], [0], [1], [0, 0, 1, 1], [], []>, transpose_lhs_hint = false} : vector<128x512xbf16>, vector<512x256xbf16>, vector<128x256xf32> -> vector<128x256xf32>
    %dot_general3A_39 = arith.constant dense<0.000000e+00> : vector<128x256xf32>
    %dot_general3A_40 = tpu.matmul %convert_element_type3A_36, %convert_element_type3A_29, %dot_general3A_39 {dimension_numbers = #tpu.dot_dimension_numbers<[1], [0], [0], [1], [0, 0, 1, 1], [], []>, transpose_lhs_hint = false} : vector<128x512xbf16>, vector<512x256xbf16>, vector<128x256xf32> -> vector<128x256xf32>
    %slice3A_41 = vector.extract_strided_slice %add3A_13 {offsets = [0, 1024], sizes = [128, 512], strides = [1, 1]} : vector<128x4096xf32> to vector<128x512xf32>
    %convert_element_type3A_42 = arith.truncf %slice3A_41 : vector<128x512xf32> to vector<128x512xbf16>
    %dot_general3A_43 = arith.constant dense<0.000000e+00> : vector<128x256xf32>
    %dot_general3A_44 = tpu.matmul %convert_element_type3A_42, %convert_element_type3A_19, %dot_general3A_43 {dimension_numbers = #tpu.dot_dimension_numbers<[1], [0], [0], [1], [0, 0, 1, 1], [], []>, transpose_lhs_hint = false} : vector<128x512xbf16>, vector<512x256xbf16>, vector<128x256xf32> -> vector<128x256xf32>
    %dot_general3A_45 = arith.constant dense<0.000000e+00> : vector<128x256xf32>
    %dot_general3A_46 = tpu.matmul %convert_element_type3A_42, %convert_element_type3A_29, %dot_general3A_45 {dimension_numbers = #tpu.dot_dimension_numbers<[1], [0], [0], [1], [0, 0, 1, 1], [], []>, transpose_lhs_hint = false} : vector<128x512xbf16>, vector<512x256xbf16>, vector<128x256xf32> -> vector<128x256xf32>
    %slice3A_47 = vector.extract_strided_slice %add3A_13 {offsets = [0, 1536], sizes = [128, 512], strides = [1, 1]} : vector<128x4096xf32> to vector<128x512xf32>
    %convert_element_type3A_48 = arith.truncf %slice3A_47 : vector<128x512xf32> to vector<128x512xbf16>
    %dot_general3A_49 = arith.constant dense<0.000000e+00> : vector<128x256xf32>
    %dot_general3A_50 = tpu.matmul %convert_element_type3A_48, %convert_element_type3A_19, %dot_general3A_49 {dimension_numbers = #tpu.dot_dimension_numbers<[1], [0], [0], [1], [0, 0, 1, 1], [], []>, transpose_lhs_hint = false} : vector<128x512xbf16>, vector<512x256xbf16>, vector<128x256xf32> -> vector<128x256xf32>
    %dot_general3A_51 = arith.constant dense<0.000000e+00> : vector<128x256xf32>
    %dot_general3A_52 = tpu.matmul %convert_element_type3A_48, %convert_element_type3A_29, %dot_general3A_51 {dimension_numbers = #tpu.dot_dimension_numbers<[1], [0], [0], [1], [0, 0, 1, 1], [], []>, transpose_lhs_hint = false} : vector<128x512xbf16>, vector<512x256xbf16>, vector<128x256xf32> -> vector<128x256xf32>
    %slice3A_53 = vector.extract_strided_slice %add3A_13 {offsets = [0, 2048], sizes = [128, 512], strides = [1, 1]} : vector<128x4096xf32> to vector<128x512xf32>
    %convert_element_type3A_54 = arith.truncf %slice3A_53 : vector<128x512xf32> to vector<128x512xbf16>
    %dot_general3A_55 = arith.constant dense<0.000000e+00> : vector<128x256xf32>
    %dot_general3A_56 = tpu.matmul %convert_element_type3A_54, %convert_element_type3A_19, %dot_general3A_55 {dimension_numbers = #tpu.dot_dimension_numbers<[1], [0], [0], [1], [0, 0, 1, 1], [], []>, transpose_lhs_hint = false} : vector<128x512xbf16>, vector<512x256xbf16>, vector<128x256xf32> -> vector<128x256xf32>
    %dot_general3A_57 = arith.constant dense<0.000000e+00> : vector<128x256xf32>
    %dot_general3A_58 = tpu.matmul %convert_element_type3A_54, %convert_element_type3A_29, %dot_general3A_57 {dimension_numbers = #tpu.dot_dimension_numbers<[1], [0], [0], [1], [0, 0, 1, 1], [], []>, transpose_lhs_hint = false} : vector<128x512xbf16>, vector<512x256xbf16>, vector<128x256xf32> -> vector<128x256xf32>
    %slice3A_59 = vector.extract_strided_slice %add3A_13 {offsets = [0, 2560], sizes = [128, 512], strides = [1, 1]} : vector<128x4096xf32> to vector<128x512xf32>
    %convert_element_type3A_60 = arith.truncf %slice3A_59 : vector<128x512xf32> to vector<128x512xbf16>
    %dot_general3A_61 = arith.constant dense<0.000000e+00> : vector<128x256xf32>
    %dot_general3A_62 = tpu.matmul %convert_element_type3A_60, %convert_element_type3A_19, %dot_general3A_61 {dimension_numbers = #tpu.dot_dimension_numbers<[1], [0], [0], [1], [0, 0, 1, 1], [], []>, transpose_lhs_hint = false} : vector<128x512xbf16>, vector<512x256xbf16>, vector<128x256xf32> -> vector<128x256xf32>
    %dot_general3A_63 = arith.constant dense<0.000000e+00> : vector<128x256xf32>
    %dot_general3A_64 = tpu.matmul %convert_element_type3A_60, %convert_element_type3A_29, %dot_general3A_63 {dimension_numbers = #tpu.dot_dimension_numbers<[1], [0], [0], [1], [0, 0, 1, 1], [], []>, transpose_lhs_hint = false} : vector<128x512xbf16>, vector<512x256xbf16>, vector<128x256xf32> -> vector<128x256xf32>
    %slice3A_65 = vector.extract_strided_slice %add3A_13 {offsets = [0, 3072], sizes = [128, 512], strides = [1, 1]} : vector<128x4096xf32> to vector<128x512xf32>
    %convert_element_type3A_66 = arith.truncf %slice3A_65 : vector<128x512xf32> to vector<128x512xbf16>
    %dot_general3A_67 = arith.constant dense<0.000000e+00> : vector<128x256xf32>
    %dot_general3A_68 = tpu.matmul %convert_element_type3A_66, %convert_element_type3A_19, %dot_general3A_67 {dimension_numbers = #tpu.dot_dimension_numbers<[1], [0], [0], [1], [0, 0, 1, 1], [], []>, transpose_lhs_hint = false} : vector<128x512xbf16>, vector<512x256xbf16>, vector<128x256xf32> -> vector<128x256xf32>
    %dot_general3A_69 = arith.constant dense<0.000000e+00> : vector<128x256xf32>
    %dot_general3A_70 = tpu.matmul %convert_element_type3A_66, %convert_element_type3A_29, %dot_general3A_69 {dimension_numbers = #tpu.dot_dimension_numbers<[1], [0], [0], [1], [0, 0, 1, 1], [], []>, transpose_lhs_hint = false} : vector<128x512xbf16>, vector<512x256xbf16>, vector<128x256xf32> -> vector<128x256xf32>
    %slice3A_71 = vector.extract_strided_slice %add3A_13 {offsets = [0, 3584], sizes = [128, 512], strides = [1, 1]} : vector<128x4096xf32> to vector<128x512xf32>
    %convert_element_type3A_72 = arith.truncf %slice3A_71 : vector<128x512xf32> to vector<128x512xbf16>
    %dot_general3A_73 = arith.constant dense<0.000000e+00> : vector<128x256xf32>
    %dot_general3A_74 = tpu.matmul %convert_element_type3A_72, %convert_element_type3A_19, %dot_general3A_73 {dimension_numbers = #tpu.dot_dimension_numbers<[1], [0], [0], [1], [0, 0, 1, 1], [], []>, transpose_lhs_hint = false} : vector<128x512xbf16>, vector<512x256xbf16>, vector<128x256xf32> -> vector<128x256xf32>
    %dot_general3A_75 = arith.constant dense<0.000000e+00> : vector<128x256xf32>
    %dot_general3A_76 = tpu.matmul %convert_element_type3A_72, %convert_element_type3A_29, %dot_general3A_75 {dimension_numbers = #tpu.dot_dimension_numbers<[1], [0], [0], [1], [0, 0, 1, 1], [], []>, transpose_lhs_hint = false} : vector<128x512xbf16>, vector<512x256xbf16>, vector<128x256xf32> -> vector<128x256xf32>
    %concatenate3A = tpu.concatenate %dot_general3A_32, %dot_general3A_38, %dot_general3A_44, %dot_general3A_50, %dot_general3A_56, %dot_general3A_62, %dot_general3A_68, %dot_general3A_74 in 1 : vector<128x256xf32>, vector<128x256xf32>, vector<128x256xf32>, vector<128x256xf32>, vector<128x256xf32>, vector<128x256xf32>, vector<128x256xf32>, vector<128x256xf32> -> vector<128x2048xf32>
    %concatenate3A_77 = tpu.concatenate %dot_general3A_34, %dot_general3A_40, %dot_general3A_46, %dot_general3A_52, %dot_general3A_58, %dot_general3A_64, %dot_general3A_70, %dot_general3A_76 in 1 : vector<128x256xf32>, vector<128x256xf32>, vector<128x256xf32>, vector<128x256xf32>, vector<128x256xf32>, vector<128x256xf32>, vector<128x256xf32>, vector<128x256xf32> -> vector<128x2048xf32>
    %add3A_78 = arith.constant 1.000000e+00 : f32
    %add3A_79 = vector.broadcast %add3A_78 : f32 to vector<128x2048xf32>
    %add3A_80 = arith.addf %concatenate3A_77, %add3A_79 : vector<128x2048xf32>
    %mul3A_81 = arith.constant 1.702000e+00 : f32
    %mul3A_82 = vector.broadcast %mul3A_81 : f32 to vector<128x2048xf32>
    %mul3A_83 = arith.mulf %mul3A_82, %concatenate3A : vector<128x2048xf32>
    %logistic3A = arith.negf %mul3A_83 : vector<128x2048xf32>
    %logistic3A_84 = math.exp %logistic3A : vector<128x2048xf32>
    %logistic3A_85 = arith.constant 1.000000e+00 : f32
    %logistic3A_86 = vector.broadcast %logistic3A_85 : f32 to vector<128x2048xf32>
    %logistic3A_87 = arith.addf %logistic3A_86, %logistic3A_84 : vector<128x2048xf32>
    %logistic3A_88 = arith.divf %logistic3A_86, %logistic3A_87 : vector<128x2048xf32>
    %mul3A_89 = arith.mulf %concatenate3A, %logistic3A_88 : vector<128x2048xf32>
    %mul3A_90 = arith.mulf %add3A_80, %mul3A_89 : vector<128x2048xf32>
    %convert_element_type3A_91 = arith.truncf %mul3A_90 : vector<128x2048xf32> to vector<128x2048xbf16>
    %get3A_92 = arith.constant 0 : index
    %get3A_93 = arith.constant 0 : index
    %get3A_94 = arith.constant 0 : index
    %get3A_95 = vector.load %arg5[%get3A_92, %get3A_93, %get3A_94] : memref<1x2048x1024xbf16, #tpu.memory_space<vmem>>, vector<1x2048x1024xbf16>
    %get3A_96 = vector.shape_cast %get3A_95 : vector<1x2048x1024xbf16> to vector<2048x1024xbf16>
    %dot_general3A_97 = arith.constant dense<0.000000e+00> : vector<128x1024xf32>
    %dot_general3A_98 = tpu.matmul %convert_element_type3A_91, %get3A_96, %dot_general3A_97 {dimension_numbers = #tpu.dot_dimension_numbers<[1], [0], [0], [1], [0, 0, 1, 1], [], []>, transpose_lhs_hint = false} : vector<128x2048xbf16>, vector<2048x1024xbf16>, vector<128x1024xf32> -> vector<128x1024xf32>
    %get3A_99 = arith.constant 0 : index
    %get3A_100 = arith.constant 0 : index
    %get3A_101 = arith.constant 0 : index
    %get3A_102 = vector.load %arg6[%get3A_99, %get3A_100, %get3A_101] : memref<1x1x1024xf32, #tpu.memory_space<vmem>>, vector<1x1x1024xf32>
    %get3A_103 = vector.shape_cast %get3A_102 : vector<1x1x1024xf32> to vector<1x1024xf32>
    %add3A_104 = vector.broadcast %get3A_103 : vector<1x1024xf32> to vector<128x1024xf32>
    %add3A_105 = arith.addf %dot_general3A_98, %add3A_104 : vector<128x1024xf32>
    %swap3A = arith.constant 0 : index
    %swap3A_106 = arith.constant 0 : index
    %swap3A_107 = vector.load %arg7[%swap3A, %swap3A_106] : memref<128x1024xf32, #tpu.memory_space<vmem>>, vector<128x1024xf32>
    tpu.vector_store %arg7[%swap3A, %swap3A_106], %add3A_105 {strides = array<i32>} : memref<128x1024xf32, #tpu.memory_space<vmem>>, vector<128x1024xf32>,
    return
  }
  func.func @transform_0(%arg0: i32, %arg1: memref<40xi32, #tpu.memory_space<smem>>) -> (i32, i32) {
    %c0_i32 = arith.constant 0 : i32
    %c0_i32_0 = arith.constant 0 : i32
    return %arg0, %c0_i32 : i32, i32
  }
  func.func @transform_1(%arg0: i32, %arg1: memref<40xi32, #tpu.memory_space<smem>>) -> (i32, i32, i32) {
    %get3A = arith.index_cast %arg0 : i32 to index
    %get3A_0 = memref.load %arg1[%get3A] : memref<40xi32, #tpu.memory_space<smem>>
    %c0_i32 = arith.constant 0 : i32
    %c0_i32_1 = arith.constant 0 : i32
    %c0_i32_2 = arith.constant 0 : i32
    return %get3A_0, %c0_i32, %c0_i32_1 : i32, i32, i32
  }
  func.func @transform_2(%arg0: i32, %arg1: memref<40xi32, #tpu.memory_space<smem>>) -> (i32, i32, i32) {
    %get3A = arith.index_cast %arg0 : i32 to index
    %get3A_0 = memref.load %arg1[%get3A] : memref<40xi32, #tpu.memory_space<smem>>
    %c0_i32 = arith.constant 0 : i32
    %c0_i32_1 = arith.constant 0 : i32
    %c0_i32_2 = arith.constant 0 : i32
    return %get3A_0, %c0_i32, %c0_i32_1 : i32, i32, i32
  }
  func.func @transform_3(%arg0: i32, %arg1: memref<40xi32, #tpu.memory_space<smem>>) -> (i32, i32, i32) {
    %get3A = arith.index_cast %arg0 : i32 to index
    %get3A_0 = memref.load %arg1[%get3A] : memref<40xi32, #tpu.memory_space<smem>>
    %c0_i32 = arith.constant 0 : i32
    %c0_i32_1 = arith.constant 0 : i32
    %c0_i32_2 = arith.constant 0 : i32
    return %get3A_0, %c0_i32, %c0_i32_1 : i32, i32, i32
  }
  func.func @transform_4(%arg0: i32, %arg1: memref<40xi32, #tpu.memory_space<smem>>) -> (i32, i32, i32) {
    %get3A = arith.index_cast %arg0 : i32 to index
    %get3A_0 = memref.load %arg1[%get3A] : memref<40xi32, #tpu.memory_space<smem>>
    %c0_i32 = arith.constant 0 : i32
    %c0_i32_1 = arith.constant 0 : i32
    %c0_i32_2 = arith.constant 0 : i32
    return %get3A_0, %c0_i32, %c0_i32_1 : i32, i32, i32
  }
  func.func @transform_5(%arg0: i32, %arg1: memref<40xi32, #tpu.memory_space<smem>>) -> (i32, i32) {
    %c0_i32 = arith.constant 0 : i32
    %c0_i32_0 = arith.constant 0 : i32
    return %arg0, %c0_i32 : i32, i32
  }
}

module attributes {stable_mosaic.version = 14 : i64} {
  func.func @_combine_kernel(%arg0: i32, %arg1: memref<1x512x1024xf32, #tpu.memory_space<vmem>>, %arg2: memref<1x512x1024xf32, #tpu.memory_space<vmem>>, %arg3: memref<512x2xf32, #tpu.memory_space<vmem>>, %arg4: memref<512x1024xf32, #tpu.memory_space<vmem>>) attributes {dimension_semantics = [#tpu.dimension_semantics<arbitrary>], iteration_bounds = array<i64: 4>, scalar_prefetch = 0 : i64, scratch_operands = 0 : i64, tpu.core_type = #tpu.core_type<tc>, window_params = [{transform_indices = @transform_0, window_bounds = array<i64: 1, 512, 1024>}, {transform_indices = @transform_1, window_bounds = array<i64: 1, 512, 1024>}, {transform_indices = @transform_2, window_bounds = array<i64: 512, 2>}, {transform_indices = @transform_3, window_bounds = array<i64: 512, 1024>}]} {
    %get3A = arith.constant 0 : index
    %get3A_0 = arith.constant 0 : index
    %get3A_1 = vector.load %arg3[%get3A, %get3A_0] : memref<512x2xf32, #tpu.memory_space<vmem>>, vector<512x2xf32>
    %slice3A = vector.extract_strided_slice %get3A_1 {offsets = [0, 0], sizes = [512, 1], strides = [1, 1]} : vector<512x2xf32> to vector<512x1xf32>
    %get3A_2 = arith.constant 0 : index
    %get3A_3 = arith.constant 0 : index
    %get3A_4 = arith.constant 0 : index
    %get3A_5 = vector.load %arg1[%get3A_2, %get3A_3, %get3A_4] : memref<1x512x1024xf32, #tpu.memory_space<vmem>>, vector<1x512x1024xf32>
    %get3A_6 = vector.shape_cast %get3A_5 : vector<1x512x1024xf32> to vector<512x1024xf32>
    %mul3A = vector.broadcast %slice3A : vector<512x1xf32> to vector<512x1024xf32>
    %mul3A_7 = arith.mulf %mul3A, %get3A_6 : vector<512x1024xf32>
    %slice3A_8 = vector.extract_strided_slice %get3A_1 {offsets = [0, 1], sizes = [512, 1], strides = [1, 1]} : vector<512x2xf32> to vector<512x1xf32>
    %get3A_9 = arith.constant 0 : index
    %get3A_10 = arith.constant 0 : index
    %get3A_11 = arith.constant 0 : index
    %get3A_12 = vector.load %arg2[%get3A_9, %get3A_10, %get3A_11] : memref<1x512x1024xf32, #tpu.memory_space<vmem>>, vector<1x512x1024xf32>
    %get3A_13 = vector.shape_cast %get3A_12 : vector<1x512x1024xf32> to vector<512x1024xf32>
    %mul3A_14 = vector.broadcast %slice3A_8 : vector<512x1xf32> to vector<512x1024xf32>
    %mul3A_15 = arith.mulf %mul3A_14, %get3A_13 : vector<512x1024xf32>
    %add3A = arith.addf %mul3A_7, %mul3A_15 : vector<512x1024xf32>
    %swap3A = arith.constant 0 : index
    %swap3A_16 = arith.constant 0 : index
    %swap3A_17 = vector.load %arg4[%swap3A, %swap3A_16] : memref<512x1024xf32, #tpu.memory_space<vmem>>, vector<512x1024xf32>
    tpu.vector_store %arg4[%swap3A, %swap3A_16], %add3A {strides = array<i32>} : memref<512x1024xf32, #tpu.memory_space<vmem>>, vector<512x1024xf32>,
    return
  }
  func.func @transform_0(%arg0: i32) -> (i32, i32, i32) {
    %c0_i32 = arith.constant 0 : i32
    %c0_i32_0 = arith.constant 0 : i32
    %c0_i32_1 = arith.constant 0 : i32
    return %c0_i32, %arg0, %c0_i32_0 : i32, i32, i32
  }
  func.func @transform_1(%arg0: i32) -> (i32, i32, i32) {
    %c1_i32 = arith.constant 1 : i32
    %c0_i32 = arith.constant 0 : i32
    %c0_i32_0 = arith.constant 0 : i32
    return %c1_i32, %arg0, %c0_i32 : i32, i32, i32
  }
  func.func @transform_2(%arg0: i32) -> (i32, i32) {
    %c0_i32 = arith.constant 0 : i32
    %c0_i32_0 = arith.constant 0 : i32
    return %arg0, %c0_i32 : i32, i32
  }
  func.func @transform_3(%arg0: i32) -> (i32, i32) {
    %c0_i32 = arith.constant 0 : i32
    %c0_i32_0 = arith.constant 0 : i32
    return %arg0, %c0_i32 : i32, i32
  }
}

</mosaic_0001>

<sc_bundles>
// kernel: kernel.10.cloned.1.call-start
scs
__scs_entry_jumppad:
0x0: {  	(pc) =	sbr.rel $0x88, $3  }
0x1: {  	(tag) =	ssettag $0x0;
	lr =	simm.s32 $0x1  }
0x2: {  	[smem:$0x3F9A] =	sst lr;
	_ =	strace $0xD0000000  }
0x3: {  	_ = 	snop  }
0x4: {  	_ = 	snop  }
0x5: {  	_ = 	snop  }
0x6: {  	_ = 	snop  }
0x7: {  	_ = 	snop  }
__scs_overlays_trampoline_lowered:
0x8: {  	[smem:$0x3FA9] =	sst s0  }
0x9: {  	[smem:$0x3FAA] =	sst s1  }
0xa: {  	[smem:$0x3FAB] =	sst s2  }
0xb: {  	[smem:$0x3FAC] =	sst s3  }
0xc: {  	[smem:$0x3FAD] =	sst s4  }
0xd: {  	[smem:$0x3FAE] =	sst s5  }
0xe: {  	[smem:$0x3FAF] =	sst s6  }
0xf: {  	[smem:$0x3FB0] =	sst s7  }
0x10: {  	[smem:$0x3FB1] =	sst s8  }
0x11: {  	[smem:$0x3FB2] =	sst s9;
	s0 =	simm.s32 @!p0 $0x0  }
0x12: {  	s1 =	sld [smem:$0x3F98];
	s0 =	simm.s32 @p0 $0x1  }
0x13: {  	[smem:$0x3FB3] =	sst s0;
	s0 =	simm.s32 @!p1 $0x0  }
0x14: {  	s2 =	sld [smem:$0x3F97];
	s0 =	simm.s32 @p1 $0x1  }
0x15: {  	[smem:$0x3FB4] =	sst s0;
	s0 =	simm.s32 @!p2 $0x0  }
0x16: {  	s3 =	sld [smem:$0x3FDB];
	s0 =	simm.s32 @p2 $0x1  }
0x17: {  	s4 =	simm.s32 $0x1BF5;
	[smem:$0x3FB6] =	sst s0  }
0x18: {  	s0 =	sld [smem:$0x3F99];
	_ =	swait.ge [sflag:s4], $0x0  }
0x19: {  	s7 =	sld [smem:$0x3F9A]  }
0x1a: {  	s8 =	sadd.s32 $0xFFFFE003, lr  }
0x1b: {  	s9 =	sadd.s32 $0xFFFFFEF7, lr;
	s5 =	simm.s32 $0xFFFFFFFF;
	p2 =	slt.u32 s8, $0xFFFFF086  }
0x1c: {  	p1 =	slt.u32 s9, $0xF7A;
	s5 =	simm.s32 @!p2 $0x0  }
0x1d: {  	s5 =	simm.s32 @p1 $0x1;
	p0 =	seq.s32 s7, s2  }
0x1e: {  	s7 =	smul.u32 @!p0 $0xF7A, s2;
	p2 =	seq.s32 @!p0 s5, $0x0  }
0x1f: {  	s9 =	smul.u32 $0xF7A, s1;
	s8 =	simm.s32 @!p0 $0x1BF5;
	p2 =	por !p2, p0  }
0x20: {  	[sflag:s8] =	ssyncset.s32 @!p0 $0xFFFFF086;
	s6 =	sadd.s32 @!p0 s3, s7;
	s7 =	simm.s32 @!p0 $0x108  }
0x21: {  	s3 =	sadd.s32 s3, s9;
	s6 =	sadd.s32 @!p0 $0x88, s6;
	s7 =	simm.s32 @p2 $0x1082  }
0x22: {  	[simem:s7], [sflag:s8] =	dma.local @!p0 [hbm:s6], $0xF7A  }
0x23: {  	s9 =	sor.u32 $0xD0000000, s2;
	s6 =	simm.s32 $0x108;
	_ =	swait.ge @!p0 [sflag:s8], $0x0  }
0x24: {  	s3 =	sadd.s32 $0x88, s3;
	s6 =	simm.s32 @!p1 $0x1082;
	[sflag:s4] =	ssyncset.s32 $0xFFFFF086  }
0x25: {  	[simem:s6], [sflag:s4] =	dma.local [hbm:s3], $0xF7A  }
0x26: {  	[smem:$0x3F9A] =	sst s1;
	(tag) =	ssettag s2;
	_ =	strace s9  }
0x27: {  	s1 =	sld [smem:$0x3FAA]  }
0x28: {  	s2 =	sld [smem:$0x3FAB]  }
0x29: {  	s4 =	sld [smem:$0x3FAD]  }
0x2a: {  	p0 =	seq.s32 s5, $0x0;
	s5 =	sld [smem:$0x3FAE]  }
0x2b: {  	s6 =	sld [smem:$0x3FAF]  }
0x2c: {  	s7 =	sld [smem:$0x3FB0]  }
0x2d: {  	s3 =	simm.s32 $0x108;
	s8 =	sld [smem:$0x3FB1]  }
0x2e: {  	s3 =	simm.s32 @!p0 $0x1082;
	s9 =	sld [smem:$0x3FB2]  }
0x2f: {  	lr =	sadd.s32 s0, s3;
	s0 =	sld [smem:$0x3FA9]  }
0x30: {  	s3 =	sld [smem:$0x3FAC]  }
0x31: {  	[smem:$0x3FB5] =	sst s10  }
0x32: {  	s10 =	sld [smem:$0x3FB3];
	_ =	sdelay $0x3  }
0x33: {  	p0 =	seq.s32 s10, $0x1;
	s10 =	sld [smem:$0x3FB5];
	_ =	sdelay $0x3  }
0x34: {  	[smem:$0x3FB5] =	sst s10  }
0x35: {  	s10 =	sld [smem:$0x3FB4];
	_ =	sdelay $0x3  }
0x36: {  	p1 =	seq.s32 s10, $0x1;
	s10 =	sld [smem:$0x3FB5];
	_ =	sdelay $0x3  }
0x37: {  	[smem:$0x3FB5] =	sst s10  }
0x38: {  	s10 =	sld [smem:$0x3FB6]  }
0x39: {  	_ = 	snop;
	(pc) =	sbr.ind lr, $3  }
0x3a: {  	_ = 	snop  }
0x3b: {  	_ = 	snop  }
0x3c: {  	p2 =	seq.s32 s10, $0x1;
	s10 =	sld [smem:$0x3FB5]  }
0x3d: {  	_ =	shalt  }
0x3e: {  	_ =	shalt  }
0x3f: {  	_ =	shalt  }
0x40: {  	_ =	shalt  }
0x41: {  	_ =	shalt  }
0x42: {  	_ =	shalt  }
0x43: {  	_ =	shalt  }
0x44: {  	_ =	shalt  }
0x45: {  	_ =	shalt  }
0x46: {  	_ =	shalt  }
0x47: {  	_ =	shalt  }
0x48: {  	_ =	shalt  }
0x49: {  	_ =	shalt  }
0x4a: {  	_ =	shalt  }
0x4b: {  	_ =	shalt  }
0x4c: {  	_ =	shalt  }
0x4d: {  	_ =	shalt  }
0x4e: {  	_ =	shalt  }
0x4f: {  	_ =	shalt  }
0x50: {  	_ =	shalt  }
0x51: {  	_ =	shalt  }
0x52: {  	_ =	shalt  }
0x53: {  	_ =	shalt  }
0x54: {  	_ =	shalt  }
0x55: {  	_ =	shalt  }
0x56: {  	_ =	shalt  }
0x57: {  	_ =	shalt  }
0x58: {  	_ =	shalt  }
0x59: {  	_ =	shalt  }
0x5a: {  	_ =	shalt  }
0x5b: {  	_ =	shalt  }
0x5c: {  	_ =	shalt  }
0x5d: {  	_ =	shalt  }
0x5e: {  	_ =	shalt  }
0x5f: {  	_ =	shalt  }
0x60: {  	_ =	shalt  }
0x61: {  	_ =	shalt  }
0x62: {  	_ =	shalt  }
0x63: {  	_ =	shalt  }
0x64: {  	_ =	shalt  }
0x65: {  	_ =	shalt  }
0x66: {  	_ =	shalt  }
0x67: {  	_ =	shalt  }
0x68: {  	_ =	shalt  }
0x69: {  	_ =	shalt  }
0x6a: {  	_ =	shalt  }
0x6b: {  	_ =	shalt  }
0x6c: {  	_ =	shalt  }
0x6d: {  	_ =	shalt  }
0x6e: {  	_ =	shalt  }
0x6f: {  	_ =	shalt  }
0x70: {  	_ =	shalt  }
0x71: {  	_ =	shalt  }
0x72: {  	_ =	shalt  }
0x73: {  	_ =	shalt  }
0x74: {  	_ =	shalt  }
0x75: {  	_ =	shalt  }
0x76: {  	_ =	shalt  }
0x77: {  	_ =	shalt  }
0x78: {  	_ =	shalt  }
0x79: {  	_ =	shalt  }
0x7a: {  	_ =	shalt  }
0x7b: {  	_ =	shalt  }
0x7c: {  	_ =	shalt  }
0x7d: {  	_ =	shalt  }
0x7e: {  	_ =	shalt  }
0x7f: {  	_ =	shalt  }
0x80: {  	_ =	shalt  }
0x81: {  	_ =	shalt  }
0x82: {  	_ =	shalt  }
0x83: {  	_ =	shalt  }
0x84: {  	_ =	shalt  }
0x85: {  	_ =	shalt  }
0x86: {  	_ =	shalt  }
0x87: {  	_ =	shalt  }
.Lfunc_end0:
.L_simem_size_0:
called_computation.1_lowered:
.L_overlay_start_0:
0x88: {  	s2 =	sld [smem:$0x3FD9]  }
0x89: {  	s3 =	sld [smem:$0x3FFE];
	_ =	sdelay $0x1  }
0x8a: {  	s1 =	srdreg.scid  }
0x8b: {  	s0 =	sand.u32 $0x1, s1  }
0x8c: {  	s16 =	sshll.u32 s0, $0xA;
	s2 =	sadd.s32 s3, s2  }
0x8d: {  	s2 =	sadd.s32 s2, s16  }
0x8e: {  	[smem:$0x3FC1] =	sst s2  }
0x8f: {  	_ = 	snop  }
0x90: {  	(tm) =	ssettm $0x1  }
0x91: {  	s17 =	sld [smem:$0x3FFB];
	_ =	sdelay $0x3  }
0x92: {  	_ =	strace s17  }
0x93: {  	s2 =	sld [smem:$0x3FFC];
	_ =	sdelay $0x3  }
0x94: {  	_ =	strace s2  }
0x95: {  	s2 =	sld [smem:$0x3FFD];
	_ =	sdelay $0x3  }
0x96: {  	_ =	strace s2  }
0x97: {  	_ =	strace $0x8FFFFFFF  }
0x98: {  	s18 =	sld [smem:$0x3FDB];
	_ =	sdelay $0x1  }
0x99: {  	s19 =	simm.s32 $_scs_section_size  }
0x9a: {  	s4 =	simm.s32 $_size__tile_overlayer_lowered;
	s5 =	simm.s32 $_tile_overlayer_lowered  }
0x9b: {  	s22 =	simm.s32 $0x1BFF;
	s21 =	sshll.u32 s5, $0x1;
	s2 =	sadd.s32 s19, s18  }
0x9c: {  	s6 =	simm.s32 $0x0;
	s20 =	sshll.u32 s4, $0x1;
	s4 =	sadd.s32 s21, s2  }
0x9d: {  	[timem:s6], [sflag:s22] =	dma.local [hbm:s4], s20  }
0x9e: {  	_ =	swait.ge [sflag:s22], s20  }
0x9f: {  	s3 =	ssub.s32 $0x0, s20;
	[sflag:s22] =	ssyncset.done $0x0  }
0xa0: {  	[sflag:s22] =	ssyncadd.s32 s3;
	_ =	sdelay $0x1  }
0xa1: {  	s23 =	simm.s32 $0x1B8B  }
0xa2: {  	_ =	swait.ge [sflag:s23], $0x1  }
0xa3: {  	[sflag:s23] =	ssyncset.done $0x0  }
0xa4: {  	s25 =	simm.s32 $0x1B8E;
	s24 =	sld [smem:$0x3FFE];
	[sflag:s23] =	ssyncadd.s32 $0xFFFFFFFF  }
0xa5: {  	s26 =	simm.s32 $execute0_lowered;
	[smem:$0x3FD2] =	sst s25  }
0xa6: {  	s4 =	sshll.u32 s26, $0x1;
	_ =	strace $0x80000049;
	[dreg:$0x1] =	wrdreg $0xFFFFFFFF  }
0xa7: {  	s28 =	simm.s32 $_size_execute0_lowered;
	s2 =	sadd.s32 s2, s4;
	[dreg:$0x0] =	wrdreg $0x0  }
0xa8: {  	s4 =	sshll.u32 s28, $0x1;
	[dreg:$0x2] =	wrdreg s2  }
0xa9: {  	[dreg:$0x3] =	wrdreg s4  }
0xaa: {  	[dreg:$0x4] =	wrdreg $0xC0  }
0xab: {  	_ =	task [dreg:s6], $0x5FFFF  }
0xac: {  	[dreg:$0x1] =	wrdreg $0xFFFFFFFF  }
0xad: {  	[dreg:$0x0] =	wrdreg $0x60  }
0xae: {  	[dreg:$0x2] =	wrdreg s24  }
0xaf: {  	[dreg:$0x3] =	wrdreg $0x9  }
0xb0: {  	_ =	task.clear_ibuf [dreg:s6], $0x4FFFF;
	_ =	strace $0x90000049  }
0xb1: {  	s29 =	simm.s32 $0x9;
	_ =	strace $0x8000004B  }
0xb2: {  	_ =	swait.ge [sflag:s29], $0x1  }
0xb3: {  	[sflag:s29] =	ssyncadd.s32 $0xFFFFFFFF  }
0xb4: {  	_ =	strace $0x9000004B  }
0xb5: {  	_ =	sfence  }
0xb6: {  	s30 =	sld [smem:$0x0];
	_ =	sdelay $0x2  }
0xb7: {  	s31 =	sshll.u32 s1, $0xD;
	s1 =	sshrl.u32 s1, $0x2  }
0xb8: {  	s3 =	sand.u32 $0x4000, s31;
	s1 =	sadd.s32 s1, s30  }
0xb9: {  	s0 =	sor.u32 s3, s0;
	s1 =	sshll.u32 s1, $0x11  }
0xba: {  	s0 =	sor.u32 s1, s0  }
0xbb: {  	s0 =	sadd.s32 $0x8F2B, s0  }
0xbc: {  	[sflag:s0] =	ssyncadd.remote.s32 $0x1  }
0xbd: {  	_ =	sfence.sel $0xFFFF  }
0xbe: {  	[dreg:$0x0] =	wrdreg $0xFFFFFFFF;
	(pc) =	sbr.abs _section_cstart, $3  }
0xbf: {  	[dreg:$0x1] =	wrdreg $0xFFFFFFFF  }
0xc0: {  	_ =	task.clear_ibuf [dreg:s6], $0x2FFFF;
	_ =	strace $0x9FFFFFFF  }
0xc1: {  	(tm) =	ssettm $0x7FFFFFFF  }
tec
execute0_lowered:
.L_overlay_start_1:
0x0: {  	(tag) =	ssettag $0x1  }
0x1: {  	s7 =	rddreg [dreg:$0x0]  }
0x2: {  	s0 =	rddreg [dreg:$0x1];
	s2 =	simm.s32 $0x0  }
0x3: {  	s3 =	srdreg.scid;
	s1 =	stileid.u32;
	s13 =	simm.s32 $0x2  }
0x4: {  	s14 =	simm.s32 $0x100;
	s15 =	simm.s32 $0x900;
	s16 =	simm.s32 $0x1100  }
0x5: {  	s17 =	simm.s32 $0x1900;
	s18 =	simm.s32 $0x2100;
	s19 =	simm.s32 $0x2900  }
0x6: {  	s20 =	simm.s32 $0x3100;
	s21 =	simm.s32 $0x3900;
	s22 =	simm.s32 $0x4100  }
0x7: {  	s23 =	simm.s32 $0x4900;
	s24 =	simm.s32 $0x5100;
	s25 =	simm.s32 $0x5900  }
0x8: {  	s26 =	simm.s32 $0x6100;
	s28 =	simm.s32 $0x6900;
	s29 =	simm.s32 $0x7100  }
0x9: {  	s30 =	simm.s32 $0x7900;
	s31 =	simm.s32 $0x1;
	[smem:$0x7FF] =	sst s2  }
0xa: {  	s4 =	sand.u32 $0x1, s3;
	s5 =	sshll.u32 s1, $0x1;
	s3 =	sadd.s32 $0x1E00, s7  }
0xb: {  	_ =	strace $0x8000004A;
	s5 =	sor.u32 s4, s5;
	s4 =	ssub.s32 $0x2, s4  }
0xc: {  	s6 =	sshll.u32 s5, $0x5;
	s5 =	sshll.u32 s5, $0xD;
	s8 =	sshrl.u32 s4, $0x1  }
0xd: {  	s6 =	sadd.s32 s6, s7;
	s11 =	sadd.s32 s5, s7;
	s12 =	ssub.s32 s4, s8  }
0xe: {  	v2 =	vlaneseq.u32;
	s5 =	sadd.s32 $0x1F00, s7;
	s4 =	sadd.s32 $0x1A00, s6;
	s6 =	sadd.s32 $0x2000, s7  }
0xf: {  	vm0 =	vmmov $0xffff;
	v1 =	vshrl.u32 v2, $0x3;
	s7 =	sadd.s32 $0x2100, s7;
	s8 =	sadd.s32 $0xA1E00, s11;
	s9 =	sadd.s32 $0xA2E00, s11  }
0x10: {  	v0 =	vand.u32 $0x7, v2;
	v2 =	vor.u32 $0x8, v2;
	v1 =	vmul.u32 $0x8, v1;
	s10 =	sadd.s32 $0xE1E00, s11;
	s11 =	sadd.s32 $0xE2E00, s11;
	s12 =	smax.u32 s12, $0x1  }
.LBB2_1:
0x11: {  	[tilespmem:s2], [sflag:$0x2] =	stream.linear.gather [hbm4b:s4+s2], $0x100, $0x38;
	[tilespmem:$0x8100] =	vst v63  }
0x12: {  	_ =	swait.ge [sflag:s13], $0x100  }
0x13: {  	[sflag:s13] =	ssyncset.done $0x0  }
0x14: {  	[sflag:s13] =	ssyncadd.s32 $0xFFFFFF00  }
0x15: {  	v3 =	vld [tilespmem:$0x0];
	_ =	sdelay $0x4  }
0x16: {  	v4 =	vshll.u32 v3, $0x3  }
0x17: {  	v3 =	vand.u32 $0x7, v3;
	v4 =	vand.u32 $0xFFFFFFC0, v4  }
0x18: {  	v3 =	vor.u32 v3, v4  }
0x19: {  	v4 =	vperm.xlane v3, v0;
	_ =	sdelay $0x1  }
0x1a: {  	v4 =	vadd.s32 v1, v4;
	_ =	sdelay $0x4  }
0x1b: {  	[tilespmem:s14], [sflag:$0x1] =	stream.indirect_vreg.gather [hbm4b:s3+s2], $0x80, v4, vm0, $0xb8;
	[tilespmem:$0x8100] =	vst v63  }
0x1c: {  	v3 =	vperm.xlane v3, v2  }
0x1d: {  	[tilespmem:s15], [sflag:$0x1] =	stream.indirect_vreg.gather [hbm4b:s5+s2], $0x80, v4, vm0, $0xb8;
	[tilespmem:$0x8100] =	vst v63  }
0x1e: {  	v3 =	vadd.s32 v1, v3  }
0x1f: {  	[tilespmem:s16], [sflag:$0x1] =	stream.indirect_vreg.gather [hbm4b:s6+s2], $0x80, v4, vm0, $0xb8;
	[tilespmem:$0x8100] =	vst v63  }
0x20: {  	_ = 	snop  }
0x21: {  	[tilespmem:s17], [sflag:$0x1] =	stream.indirect_vreg.gather [hbm4b:s7+s2], $0x80, v4, vm0, $0xb8;
	[tilespmem:$0x8100] =	vst v63  }
0x22: {  	_ = 	snop  }
0x23: {  	[tilespmem:s18], [sflag:$0x1] =	stream.indirect_vreg.gather [hbm4b:s3+s2], $0x80, v3, vm0, $0xb8;
	[tilespmem:$0x8100] =	vst v63  }
0x24: {  	_ = 	snop  }
0x25: {  	[tilespmem:s19], [sflag:$0x1] =	stream.indirect_vreg.gather [hbm4b:s5+s2], $0x80, v3, vm0, $0xb8;
	[tilespmem:$0x8100] =	vst v63  }
0x26: {  	_ = 	snop  }
0x27: {  	[tilespmem:s20], [sflag:$0x1] =	stream.indirect_vreg.gather [hbm4b:s6+s2], $0x80, v3, vm0, $0xb8;
	[tilespmem:$0x8100] =	vst v63  }
0x28: {  	_ = 	snop  }
0x29: {  	[tilespmem:s21], [sflag:$0x1] =	stream.indirect_vreg.gather [hbm4b:s7+s2], $0x80, v3, vm0, $0xb8;
	[tilespmem:$0x8100] =	vst v63  }
0x2a: {  	v3 =	vld [tilespmem:$0x10];
	_ =	sdelay $0x4  }
0x2b: {  	v57 =	vshll.u32 v3, $0x3  }
0x2c: {  	v3 =	vand.u32 $0x7, v3;
	v4 =	vand.u32 $0xFFFFFFC0, v57  }
0x2d: {  	v3 =	vor.u32 v3, v4  }
0x2e: {  	v4 =	vperm.xlane v3, v0;
	_ =	sdelay $0x1  }
0x2f: {  	v4 =	vadd.s32 v1, v4;
	_ =	sdelay $0x4  }
0x30: {  	[tilespmem:s22], [sflag:$0x1] =	stream.indirect_vreg.gather [hbm4b:s3+s2], $0x80, v4, vm0, $0xb8;
	[tilespmem:$0x8100] =	vst v63  }
0x31: {  	v3 =	vperm.xlane v3, v2  }
0x32: {  	[tilespmem:s23], [sflag:$0x1] =	stream.indirect_vreg.gather [hbm4b:s5+s2], $0x80, v4, vm0, $0xb8;
	[tilespmem:$0x8100] =	vst v63  }
0x33: {  	v3 =	vadd.s32 v1, v3  }
0x34: {  	[tilespmem:s24], [sflag:$0x1] =	stream.indirect_vreg.gather [hbm4b:s6+s2], $0x80, v4, vm0, $0xb8;
	[tilespmem:$0x8100] =	vst v63  }
0x35: {  	_ = 	snop  }
0x36: {  	[tilespmem:s25], [sflag:$0x1] =	stream.indirect_vreg.gather [hbm4b:s7+s2], $0x80, v4, vm0, $0xb8;
	[tilespmem:$0x8100] =	vst v63  }
0x37: {  	_ = 	snop  }
0x38: {  	[tilespmem:s26], [sflag:$0x1] =	stream.indirect_vreg.gather [hbm4b:s3+s2], $0x80, v3, vm0, $0xb8;
	[tilespmem:$0x8100] =	vst v63  }
0x39: {  	_ = 	snop  }
0x3a: {  	[tilespmem:s28], [sflag:$0x1] =	stream.indirect_vreg.gather [hbm4b:s5+s2], $0x80, v3, vm0, $0xb8;
	[tilespmem:$0x8100] =	vst v63  }
0x3b: {  	_ = 	snop  }
0x3c: {  	[tilespmem:s29], [sflag:$0x1] =	stream.indirect_vreg.gather [hbm4b:s6+s2], $0x80, v3, vm0, $0xb8;
	[tilespmem:$0x8100] =	vst v63  }
0x3d: {  	_ = 	snop  }
0x3e: {  	[tilespmem:s30], [sflag:$0x1] =	stream.indirect_vreg.gather [hbm4b:s7+s2], $0x80, v3, vm0, $0xb8;
	[tilespmem:$0x8100] =	vst v63  }
0x3f: {  	_ =	swait.ge [sflag:s31], $0x8000  }
0x40: {  	[sflag:s31] =	ssyncset.done $0x0  }
0x41: {  	[sflag:s31] =	ssyncadd.s32 $0xFFFF8000  }
0x42: {  	[hbm4b:s8+s2] =	stream.linear.scatter [tilespmem:s14], [sflag:$0x2], $0x8000, $0x38;
	[tilespmem:$0x8100] =	vst v63  }
0x43: {  	_ =	swait.ge [sflag:s13], $0x8000  }
0x44: {  	[sflag:s13] =	ssyncset.done $0x0  }
0x45: {  	[sflag:s13] =	ssyncadd.s32 $0xFFFF8000  }
0x46: {  	v3 =	vld [tilespmem:$0x20];
	_ =	sdelay $0x4  }
0x47: {  	v58 =	vshll.u32 v3, $0x3  }
0x48: {  	v3 =	vand.u32 $0x7, v3;
	v4 =	vand.u32 $0xFFFFFFC0, v58  }
0x49: {  	v3 =	vor.u32 v3, v4  }
0x4a: {  	v4 =	vperm.xlane v3, v0;
	_ =	sdelay $0x1  }
0x4b: {  	v4 =	vadd.s32 v1, v4;
	_ =	sdelay $0x4  }
0x4c: {  	[tilespmem:s14], [sflag:$0x1] =	stream.indirect_vreg.gather [hbm4b:s3+s2], $0x80, v4, vm0, $0xb8;
	[tilespmem:$0x8100] =	vst v63  }
0x4d: {  	v3 =	vperm.xlane v3, v2  }
0x4e: {  	[tilespmem:s15], [sflag:$0x1] =	stream.indirect_vreg.gather [hbm4b:s5+s2], $0x80, v4, vm0, $0xb8;
	[tilespmem:$0x8100] =	vst v63  }
0x4f: {  	v3 =	vadd.s32 v1, v3  }
0x50: {  	[tilespmem:s16], [sflag:$0x1] =	stream.indirect_vreg.gather [hbm4b:s6+s2], $0x80, v4, vm0, $0xb8;
	[tilespmem:$0x8100] =	vst v63  }
0x51: {  	_ = 	snop  }
0x52: {  	[tilespmem:s17], [sflag:$0x1] =	stream.indirect_vreg.gather [hbm4b:s7+s2], $0x80, v4, vm0, $0xb8;
	[tilespmem:$0x8100] =	vst v63  }
0x53: {  	_ = 	snop  }
0x54: {  	[tilespmem:s18], [sflag:$0x1] =	stream.indirect_vreg.gather [hbm4b:s3+s2], $0x80, v3, vm0, $0xb8;
	[tilespmem:$0x8100] =	vst v63  }
0x55: {  	_ = 	snop  }
0x56: {  	[tilespmem:s19], [sflag:$0x1] =	stream.indirect_vreg.gather [hbm4b:s5+s2], $0x80, v3, vm0, $0xb8;
	[tilespmem:$0x8100] =	vst v63  }
0x57: {  	_ = 	snop  }
0x58: {  	[tilespmem:s20], [sflag:$0x1] =	stream.indirect_vreg.gather [hbm4b:s6+s2], $0x80, v3, vm0, $0xb8;
	[tilespmem:$0x8100] =	vst v63  }
0x59: {  	_ = 	snop  }
0x5a: {  	[tilespmem:s21], [sflag:$0x1] =	stream.indirect_vreg.gather [hbm4b:s7+s2], $0x80, v3, vm0, $0xb8;
	[tilespmem:$0x8100] =	vst v63  }
0x5b: {  	v3 =	vld [tilespmem:$0x30];
	_ =	sdelay $0x4  }
0x5c: {  	v59 =	vshll.u32 v3, $0x3  }
0x5d: {  	v3 =	vand.u32 $0x7, v3;
	v4 =	vand.u32 $0xFFFFFFC0, v59  }
0x5e: {  	v3 =	vor.u32 v3, v4  }
0x5f: {  	v4 =	vperm.xlane v3, v0;
	_ =	sdelay $0x1  }
0x60: {  	v4 =	vadd.s32 v1, v4;
	_ =	sdelay $0x4  }
0x61: {  	[tilespmem:s22], [sflag:$0x1] =	stream.indirect_vreg.gather [hbm4b:s3+s2], $0x80, v4, vm0, $0xb8;
	[tilespmem:$0x8100] =	vst v63  }
0x62: {  	v3 =	vperm.xlane v3, v2  }
0x63: {  	[tilespmem:s23], [sflag:$0x1] =	stream.indirect_vreg.gather [hbm4b:s5+s2], $0x80, v4, vm0, $0xb8;
	[tilespmem:$0x8100] =	vst v63  }
0x64: {  	v3 =	vadd.s32 v1, v3  }
0x65: {  	[tilespmem:s24], [sflag:$0x1] =	stream.indirect_vreg.gather [hbm4b:s6+s2], $0x80, v4, vm0, $0xb8;
	[tilespmem:$0x8100] =	vst v63  }
0x66: {  	_ = 	snop  }
0x67: {  	[tilespmem:s25], [sflag:$0x1] =	stream.indirect_vreg.gather [hbm4b:s7+s2], $0x80, v4, vm0, $0xb8;
	[tilespmem:$0x8100] =	vst v63  }
0x68: {  	_ = 	snop  }
0x69: {  	[tilespmem:s26], [sflag:$0x1] =	stream.indirect_vreg.gather [hbm4b:s3+s2], $0x80, v3, vm0, $0xb8;
	[tilespmem:$0x8100] =	vst v63  }
0x6a: {  	_ = 	snop  }
0x6b: {  	[tilespmem:s28], [sflag:$0x1] =	stream.indirect_vreg.gather [hbm4b:s5+s2], $0x80, v3, vm0, $0xb8;
	[tilespmem:$0x8100] =	vst v63  }
0x6c: {  	_ = 	snop  }
0x6d: {  	[tilespmem:s29], [sflag:$0x1] =	stream.indirect_vreg.gather [hbm4b:s6+s2], $0x80, v3, vm0, $0xb8;
	[tilespmem:$0x8100] =	vst v63  }
0x6e: {  	_ = 	snop  }
0x6f: {  	[tilespmem:s30], [sflag:$0x1] =	stream.indirect_vreg.gather [hbm4b:s7+s2], $0x80, v3, vm0, $0xb8;
	[tilespmem:$0x8100] =	vst v63  }
0x70: {  	_ =	swait.ge [sflag:s31], $0x8000  }
0x71: {  	[sflag:s31] =	ssyncset.done $0x0  }
0x72: {  	[sflag:s31] =	ssyncadd.s32 $0xFFFF8000  }
0x73: {  	[hbm4b:s9+s2] =	stream.linear.scatter [tilespmem:s14], [sflag:$0x2], $0x8000, $0x38;
	[tilespmem:$0x8100] =	vst v63  }
0x74: {  	_ =	swait.ge [sflag:s13], $0x8000  }
0x75: {  	[sflag:s13] =	ssyncset.done $0x0  }
0x76: {  	[sflag:s13] =	ssyncadd.s32 $0xFFFF8000  }
0x77: {  	v3 =	vld [tilespmem:$0x80];
	_ =	sdelay $0x4  }
0x78: {  	v60 =	vshll.u32 v3, $0x3  }
0x79: {  	v3 =	vand.u32 $0x7, v3;
	v4 =	vand.u32 $0xFFFFFFC0, v60  }
0x7a: {  	v3 =	vor.u32 v3, v4  }
0x7b: {  	v4 =	vperm.xlane v3, v0;
	_ =	sdelay $0x1  }
0x7c: {  	v4 =	vadd.s32 v1, v4;
	_ =	sdelay $0x4  }
0x7d: {  	[tilespmem:s14], [sflag:$0x1] =	stream.indirect_vreg.gather [hbm4b:s3+s2], $0x80, v4, vm0, $0xb8;
	[tilespmem:$0x8100] =	vst v63  }
0x7e: {  	v3 =	vperm.xlane v3, v2  }
0x7f: {  	[tilespmem:s15], [sflag:$0x1] =	stream.indirect_vreg.gather [hbm4b:s5+s2], $0x80, v4, vm0, $0xb8;
	[tilespmem:$0x8100] =	vst v63  }
0x80: {  	v3 =	vadd.s32 v1, v3  }
0x81: {  	[tilespmem:s16], [sflag:$0x1] =	stream.indirect_vreg.gather [hbm4b:s6+s2], $0x80, v4, vm0, $0xb8;
	[tilespmem:$0x8100] =	vst v63  }
0x82: {  	_ = 	snop  }
0x83: {  	[tilespmem:s17], [sflag:$0x1] =	stream.indirect_vreg.gather [hbm4b:s7+s2], $0x80, v4, vm0, $0xb8;
	[tilespmem:$0x8100] =	vst v63  }
0x84: {  	_ = 	snop  }
0x85: {  	[tilespmem:s18], [sflag:$0x1] =	stream.indirect_vreg.gather [hbm4b:s3+s2], $0x80, v3, vm0, $0xb8;
	[tilespmem:$0x8100] =	vst v63  }
0x86: {  	_ = 	snop  }
0x87: {  	[tilespmem:s19], [sflag:$0x1] =	stream.indirect_vreg.gather [hbm4b:s5+s2], $0x80, v3, vm0, $0xb8;
	[tilespmem:$0x8100] =	vst v63  }
0x88: {  	_ = 	snop  }
0x89: {  	[tilespmem:s20], [sflag:$0x1] =	stream.indirect_vreg.gather [hbm4b:s6+s2], $0x80, v3, vm0, $0xb8;
	[tilespmem:$0x8100] =	vst v63  }
0x8a: {  	_ = 	snop  }
0x8b: {  	[tilespmem:s21], [sflag:$0x1] =	stream.indirect_vreg.gather [hbm4b:s7+s2], $0x80, v3, vm0, $0xb8;
	[tilespmem:$0x8100] =	vst v63  }
0x8c: {  	v3 =	vld [tilespmem:$0x90];
	_ =	sdelay $0x4  }
0x8d: {  	v61 =	vshll.u32 v3, $0x3  }
0x8e: {  	v3 =	vand.u32 $0x7, v3;
	v4 =	vand.u32 $0xFFFFFFC0, v61  }
0x8f: {  	v3 =	vor.u32 v3, v4  }
0x90: {  	v4 =	vperm.xlane v3, v0;
	_ =	sdelay $0x1  }
0x91: {  	v4 =	vadd.s32 v1, v4;
	_ =	sdelay $0x4  }
0x92: {  	[tilespmem:s22], [sflag:$0x1] =	stream.indirect_vreg.gather [hbm4b:s3+s2], $0x80, v4, vm0, $0xb8;
	[tilespmem:$0x8100] =	vst v63  }
0x93: {  	v3 =	vperm.xlane v3, v2  }
0x94: {  	[tilespmem:s23], [sflag:$0x1] =	stream.indirect_vreg.gather [hbm4b:s5+s2], $0x80, v4, vm0, $0xb8;
	[tilespmem:$0x8100] =	vst v63  }
0x95: {  	v3 =	vadd.s32 v1, v3  }
0x96: {  	[tilespmem:s24], [sflag:$0x1] =	stream.indirect_vreg.gather [hbm4b:s6+s2], $0x80, v4, vm0, $0xb8;
	[tilespmem:$0x8100] =	vst v63  }
0x97: {  	_ = 	snop  }
0x98: {  	[tilespmem:s25], [sflag:$0x1] =	stream.indirect_vreg.gather [hbm4b:s7+s2], $0x80, v4, vm0, $0xb8;
	[tilespmem:$0x8100] =	vst v63  }
0x99: {  	_ = 	snop  }
0x9a: {  	[tilespmem:s26], [sflag:$0x1] =	stream.indirect_vreg.gather [hbm4b:s3+s2], $0x80, v3, vm0, $0xb8;
	[tilespmem:$0x8100] =	vst v63  }
0x9b: {  	_ = 	snop  }
0x9c: {  	[tilespmem:s28], [sflag:$0x1] =	stream.indirect_vreg.gather [hbm4b:s5+s2], $0x80, v3, vm0, $0xb8;
	[tilespmem:$0x8100] =	vst v63  }
0x9d: {  	_ = 	snop  }
0x9e: {  	[tilespmem:s29], [sflag:$0x1] =	stream.indirect_vreg.gather [hbm4b:s6+s2], $0x80, v3, vm0, $0xb8;
	[tilespmem:$0x8100] =	vst v63  }
0x9f: {  	_ = 	snop  }
0xa0: {  	[tilespmem:s30], [sflag:$0x1] =	stream.indirect_vreg.gather [hbm4b:s7+s2], $0x80, v3, vm0, $0xb8;
	[tilespmem:$0x8100] =	vst v63  }
0xa1: {  	_ =	swait.ge [sflag:s31], $0x8000  }
0xa2: {  	[sflag:s31] =	ssyncset.done $0x0  }
0xa3: {  	[sflag:s31] =	ssyncadd.s32 $0xFFFF8000  }
0xa4: {  	[hbm4b:s10+s2] =	stream.linear.scatter [tilespmem:s14], [sflag:$0x2], $0x8000, $0x38;
	[tilespmem:$0x8100] =	vst v63  }
0xa5: {  	_ =	swait.ge [sflag:s13], $0x8000  }
0xa6: {  	[sflag:s13] =	ssyncset.done $0x0  }
0xa7: {  	[sflag:s13] =	ssyncadd.s32 $0xFFFF8000  }
0xa8: {  	v3 =	vld [tilespmem:$0xA0];
	_ =	sdelay $0x4  }
0xa9: {  	v62 =	vshll.u32 v3, $0x3  }
0xaa: {  	v3 =	vand.u32 $0x7, v3;
	v4 =	vand.u32 $0xFFFFFFC0, v62  }
0xab: {  	v3 =	vor.u32 v3, v4  }
0xac: {  	v4 =	vperm.xlane v3, v0;
	_ =	sdelay $0x1  }
0xad: {  	v4 =	vadd.s32 v1, v4;
	_ =	sdelay $0x4  }
0xae: {  	[tilespmem:s14], [sflag:$0x1] =	stream.indirect_vreg.gather [hbm4b:s3+s2], $0x80, v4, vm0, $0xb8;
	[tilespmem:$0x8100] =	vst v63  }
0xaf: {  	v3 =	vperm.xlane v3, v2  }
0xb0: {  	[tilespmem:s15], [sflag:$0x1] =	stream.indirect_vreg.gather [hbm4b:s5+s2], $0x80, v4, vm0, $0xb8;
	[tilespmem:$0x8100] =	vst v63  }
0xb1: {  	v3 =	vadd.s32 v1, v3  }
0xb2: {  	[tilespmem:s16], [sflag:$0x1] =	stream.indirect_vreg.gather [hbm4b:s6+s2], $0x80, v4, vm0, $0xb8;
	[tilespmem:$0x8100] =	vst v63  }
0xb3: {  	_ = 	snop  }
0xb4: {  	[tilespmem:s17], [sflag:$0x1] =	stream.indirect_vreg.gather [hbm4b:s7+s2], $0x80, v4, vm0, $0xb8;
	[tilespmem:$0x8100] =	vst v63  }
0xb5: {  	_ = 	snop  }
0xb6: {  	[tilespmem:s18], [sflag:$0x1] =	stream.indirect_vreg.gather [hbm4b:s3+s2], $0x80, v3, vm0, $0xb8;
	[tilespmem:$0x8100] =	vst v63  }
0xb7: {  	_ = 	snop  }
0xb8: {  	[tilespmem:s19], [sflag:$0x1] =	stream.indirect_vreg.gather [hbm4b:s5+s2], $0x80, v3, vm0, $0xb8;
	[tilespmem:$0x8100] =	vst v63  }
0xb9: {  	_ = 	snop  }
0xba: {  	[tilespmem:s20], [sflag:$0x1] =	stream.indirect_vreg.gather [hbm4b:s6+s2], $0x80, v3, vm0, $0xb8;
	[tilespmem:$0x8100] =	vst v63  }
0xbb: {  	_ = 	snop  }
0xbc: {  	[tilespmem:s21], [sflag:$0x1] =	stream.indirect_vreg.gather [hbm4b:s7+s2], $0x80, v3, vm0, $0xb8;
	[tilespmem:$0x8100] =	vst v63  }
0xbd: {  	v3 =	vld [tilespmem:$0xB0];
	_ =	sdelay $0x4  }
0xbe: {  	v63 =	vshll.u32 v3, $0x3  }
0xbf: {  	v3 =	vand.u32 $0x7, v3;
	v4 =	vand.u32 $0xFFFFFFC0, v63  }
0xc0: {  	v3 =	vor.u32 v3, v4  }
0xc1: {  	v4 =	vperm.xlane v3, v0;
	_ =	sdelay $0x1  }
0xc2: {  	v4 =	vadd.s32 v1, v4;
	_ =	sdelay $0x4  }
0xc3: {  	[tilespmem:s22], [sflag:$0x1] =	stream.indirect_vreg.gather [hbm4b:s3+s2], $0x80, v4, vm0, $0xb8;
	[tilespmem:$0x8100] =	vst v63  }
0xc4: {  	v3 =	vperm.xlane v3, v2  }
0xc5: {  	[tilespmem:s23], [sflag:$0x1] =	stream.indirect_vreg.gather [hbm4b:s5+s2], $0x80, v4, vm0, $0xb8;
	[tilespmem:$0x8100] =	vst v63  }
0xc6: {  	v3 =	vadd.s32 v1, v3  }
0xc7: {  	[tilespmem:s24], [sflag:$0x1] =	stream.indirect_vreg.gather [hbm4b:s6+s2], $0x80, v4, vm0, $0xb8;
	[tilespmem:$0x8100] =	vst v63  }
0xc8: {  	_ = 	snop  }
0xc9: {  	[tilespmem:s25], [sflag:$0x1] =	stream.indirect_vreg.gather [hbm4b:s7+s2], $0x80, v4, vm0, $0xb8;
	[tilespmem:$0x8100] =	vst v63  }
0xca: {  	_ = 	snop  }
0xcb: {  	[tilespmem:s26], [sflag:$0x1] =	stream.indirect_vreg.gather [hbm4b:s3+s2], $0x80, v3, vm0, $0xb8;
	[tilespmem:$0x8100] =	vst v63  }
0xcc: {  	_ = 	snop  }
0xcd: {  	[tilespmem:s28], [sflag:$0x1] =	stream.indirect_vreg.gather [hbm4b:s5+s2], $0x80, v3, vm0, $0xb8;
	[tilespmem:$0x8100] =	vst v63  }
0xce: {  	_ = 	snop  }
0xcf: {  	[tilespmem:s29], [sflag:$0x1] =	stream.indirect_vreg.gather [hbm4b:s6+s2], $0x80, v3, vm0, $0xb8;
	[tilespmem:$0x8100] =	vst v63  }
0xd0: {  	_ = 	snop  }
0xd1: {  	[tilespmem:s30], [sflag:$0x1] =	stream.indirect_vreg.gather [hbm4b:s7+s2], $0x80, v3, vm0, $0xb8;
	[tilespmem:$0x8100] =	vst v63  }
0xd2: {  	_ =	swait.ge [sflag:s31], $0x8000  }
0xd3: {  	p0 =	sne.s32 s12, $0x1;
	[sflag:s31] =	ssyncset.done $0x0  }
.Ltmp0:
0xd4: {  	[sflag:s31] =	ssyncadd.s32 $0xFFFF8000;
	(pc) =	sbr.rel @p0 .LBB2_1-.Ltmp0, $4  }
0xd5: {  	[hbm4b:s11+s2] =	stream.linear.scatter [tilespmem:s14], [sflag:$0x2], $0x8000, $0x38;
	[tilespmem:$0x8100] =	vst v63  }
0xd6: {  	_ =	swait.ge [sflag:s13], $0x8000  }
0xd7: {  	[sflag:s13] =	ssyncset.done $0x0  }
0xd8: {  	s12 =	sadd.s32 $0xFFFFFFFF, s12;
	[sflag:s13] =	ssyncadd.s32 $0xFFFF8000  }
0xd9: {  	_ =	sfence.sel $0x180000  }
0xda: {  	[bflag:$0x0] =	sbarrier.arrive $0xFFFF  }
0xdb: {  	p0 =	sne.s32 s1, $0x0;
	_ =	strace $0x9000004A  }
0xdc: {  	s0 =	sadd.s32 @!p0 $0x100000, s0;
	[bflag:$0x2] =	sbarrier.arrive $0xFFFF  }
0xdd: {  	[sflag:s0] =	ssyncadd.tile.s32 @!p0 $0x1;
	_ =	shalt  }
.Lfunc_end2:
_tile_overlayer_lowered:
.L_overlay_start_2:
0xde: {  	(tag) =	ssettag $0x2  }
0xdf: {  	s0 =	rddreg [dreg:$0x0];
	s2 =	stileid.u32  }
0xe0: {  	s1 =	rddreg [dreg:$0x1];
	p0 =	sne.s32 s2, $0x0  }
0xe1: {  	s3 =	rddreg [dreg:$0x2];
	[bflag:$0x3] =	sbarrier.arrive $0xFFFF;
	s2 =	simm.s32 @!p0 $0x1C02  }
0xe2: {  	[timem:s3], [sflag:s2] =	dma.local @!p0 [hbm:s0], s1  }
0xe3: {  	s0 =	simm.s32 @!p0 $0x2  }
0xe4: {  	_ =	swait.ge @!p0 [sflag:s0], s1  }
0xe5: {  	s1 =	ssub.s32 @!p0 $0x0, s1;
	[sflag:s0] =	ssyncset.done @!p0 $0x0  }
0xe6: {  	[sflag:s0] =	ssyncadd.s32 @!p0 s1  }
0xe7: {  	[bflag:$0x3] =	sbarrier.arrive $0xFFFF  }
0xe8: {  	_ =	shalt  }

// kernel: kernel.7.cloned.1.call-start
scs
__scs_entry_jumppad:
0x0: {  	(pc) =	sbr.rel $0x88, $3  }
0x1: {  	(tag) =	ssettag $0x0;
	lr =	simm.s32 $0x1  }
0x2: {  	[smem:$0x3F9A] =	sst lr;
	_ =	strace $0xD0000000  }
0x3: {  	_ = 	snop  }
0x4: {  	_ = 	snop  }
0x5: {  	_ = 	snop  }
0x6: {  	_ = 	snop  }
0x7: {  	_ = 	snop  }
__scs_overlays_trampoline_lowered:
0x8: {  	[smem:$0x3FA9] =	sst s0  }
0x9: {  	[smem:$0x3FAA] =	sst s1  }
0xa: {  	[smem:$0x3FAB] =	sst s2  }
0xb: {  	[smem:$0x3FAC] =	sst s3  }
0xc: {  	[smem:$0x3FAD] =	sst s4  }
0xd: {  	[smem:$0x3FAE] =	sst s5  }
0xe: {  	[smem:$0x3FAF] =	sst s6  }
0xf: {  	[smem:$0x3FB0] =	sst s7  }
0x10: {  	[smem:$0x3FB1] =	sst s8  }
0x11: {  	[smem:$0x3FB2] =	sst s9;
	s0 =	simm.s32 @!p0 $0x0  }
0x12: {  	s1 =	sld [smem:$0x3F98];
	s0 =	simm.s32 @p0 $0x1  }
0x13: {  	[smem:$0x3FB3] =	sst s0;
	s0 =	simm.s32 @!p1 $0x0  }
0x14: {  	s2 =	sld [smem:$0x3F97];
	s0 =	simm.s32 @p1 $0x1  }
0x15: {  	[smem:$0x3FB4] =	sst s0;
	s0 =	simm.s32 @!p2 $0x0  }
0x16: {  	s3 =	sld [smem:$0x3FDB];
	s0 =	simm.s32 @p2 $0x1  }
0x17: {  	s4 =	simm.s32 $0x1BF5;
	[smem:$0x3FB6] =	sst s0  }
0x18: {  	s0 =	sld [smem:$0x3F99];
	_ =	swait.ge [sflag:s4], $0x0  }
0x19: {  	s7 =	sld [smem:$0x3F9A]  }
0x1a: {  	s8 =	sadd.s32 $0xFFFFE003, lr  }
0x1b: {  	s9 =	sadd.s32 $0xFFFFFEF7, lr;
	s5 =	simm.s32 $0xFFFFFFFF;
	p2 =	slt.u32 s8, $0xFFFFF086  }
0x1c: {  	p1 =	slt.u32 s9, $0xF7A;
	s5 =	simm.s32 @!p2 $0x0  }
0x1d: {  	s5 =	simm.s32 @p1 $0x1;
	p0 =	seq.s32 s7, s2  }
0x1e: {  	s7 =	smul.u32 @!p0 $0xF7A, s2;
	p2 =	seq.s32 @!p0 s5, $0x0  }
0x1f: {  	s9 =	smul.u32 $0xF7A, s1;
	s8 =	simm.s32 @!p0 $0x1BF5;
	p2 =	por !p2, p0  }
0x20: {  	[sflag:s8] =	ssyncset.s32 @!p0 $0xFFFFF086;
	s6 =	sadd.s32 @!p0 s3, s7;
	s7 =	simm.s32 @!p0 $0x108  }
0x21: {  	s3 =	sadd.s32 s3, s9;
	s6 =	sadd.s32 @!p0 $0x88, s6;
	s7 =	simm.s32 @p2 $0x1082  }
0x22: {  	[simem:s7], [sflag:s8] =	dma.local @!p0 [hbm:s6], $0xF7A  }
0x23: {  	s9 =	sor.u32 $0xD0000000, s2;
	s6 =	simm.s32 $0x108;
	_ =	swait.ge @!p0 [sflag:s8], $0x0  }
0x24: {  	s3 =	sadd.s32 $0x88, s3;
	s6 =	simm.s32 @!p1 $0x1082;
	[sflag:s4] =	ssyncset.s32 $0xFFFFF086  }
0x25: {  	[simem:s6], [sflag:s4] =	dma.local [hbm:s3], $0xF7A  }
0x26: {  	[smem:$0x3F9A] =	sst s1;
	(tag) =	ssettag s2;
	_ =	strace s9  }
0x27: {  	s1 =	sld [smem:$0x3FAA]  }
0x28: {  	s2 =	sld [smem:$0x3FAB]  }
0x29: {  	s4 =	sld [smem:$0x3FAD]  }
0x2a: {  	p0 =	seq.s32 s5, $0x0;
	s5 =	sld [smem:$0x3FAE]  }
0x2b: {  	s6 =	sld [smem:$0x3FAF]  }
0x2c: {  	s7 =	sld [smem:$0x3FB0]  }
0x2d: {  	s3 =	simm.s32 $0x108;
	s8 =	sld [smem:$0x3FB1]  }
0x2e: {  	s3 =	simm.s32 @!p0 $0x1082;
	s9 =	sld [smem:$0x3FB2]  }
0x2f: {  	lr =	sadd.s32 s0, s3;
	s0 =	sld [smem:$0x3FA9]  }
0x30: {  	s3 =	sld [smem:$0x3FAC]  }
0x31: {  	[smem:$0x3FB5] =	sst s10  }
0x32: {  	s10 =	sld [smem:$0x3FB3];
	_ =	sdelay $0x3  }
0x33: {  	p0 =	seq.s32 s10, $0x1;
	s10 =	sld [smem:$0x3FB5];
	_ =	sdelay $0x3  }
0x34: {  	[smem:$0x3FB5] =	sst s10  }
0x35: {  	s10 =	sld [smem:$0x3FB4];
	_ =	sdelay $0x3  }
0x36: {  	p1 =	seq.s32 s10, $0x1;
	s10 =	sld [smem:$0x3FB5];
	_ =	sdelay $0x3  }
0x37: {  	[smem:$0x3FB5] =	sst s10  }
0x38: {  	s10 =	sld [smem:$0x3FB6]  }
0x39: {  	_ = 	snop;
	(pc) =	sbr.ind lr, $3  }
0x3a: {  	_ = 	snop  }
0x3b: {  	_ = 	snop  }
0x3c: {  	p2 =	seq.s32 s10, $0x1;
	s10 =	sld [smem:$0x3FB5]  }
0x3d: {  	_ =	shalt  }
0x3e: {  	_ =	shalt  }
0x3f: {  	_ =	shalt  }
0x40: {  	_ =	shalt  }
0x41: {  	_ =	shalt  }
0x42: {  	_ =	shalt  }
0x43: {  	_ =	shalt  }
0x44: {  	_ =	shalt  }
0x45: {  	_ =	shalt  }
0x46: {  	_ =	shalt  }
0x47: {  	_ =	shalt  }
0x48: {  	_ =	shalt  }
0x49: {  	_ =	shalt  }
0x4a: {  	_ =	shalt  }
0x4b: {  	_ =	shalt  }
0x4c: {  	_ =	shalt  }
0x4d: {  	_ =	shalt  }
0x4e: {  	_ =	shalt  }
0x4f: {  	_ =	shalt  }
0x50: {  	_ =	shalt  }
0x51: {  	_ =	shalt  }
0x52: {  	_ =	shalt  }
0x53: {  	_ =	shalt  }
0x54: {  	_ =	shalt  }
0x55: {  	_ =	shalt  }
0x56: {  	_ =	shalt  }
0x57: {  	_ =	shalt  }
0x58: {  	_ =	shalt  }
0x59: {  	_ =	shalt  }
0x5a: {  	_ =	shalt  }
0x5b: {  	_ =	shalt  }
0x5c: {  	_ =	shalt  }
0x5d: {  	_ =	shalt  }
0x5e: {  	_ =	shalt  }
0x5f: {  	_ =	shalt  }
0x60: {  	_ =	shalt  }
0x61: {  	_ =	shalt  }
0x62: {  	_ =	shalt  }
0x63: {  	_ =	shalt  }
0x64: {  	_ =	shalt  }
0x65: {  	_ =	shalt  }
0x66: {  	_ =	shalt  }
0x67: {  	_ =	shalt  }
0x68: {  	_ =	shalt  }
0x69: {  	_ =	shalt  }
0x6a: {  	_ =	shalt  }
0x6b: {  	_ =	shalt  }
0x6c: {  	_ =	shalt  }
0x6d: {  	_ =	shalt  }
0x6e: {  	_ =	shalt  }
0x6f: {  	_ =	shalt  }
0x70: {  	_ =	shalt  }
0x71: {  	_ =	shalt  }
0x72: {  	_ =	shalt  }
0x73: {  	_ =	shalt  }
0x74: {  	_ =	shalt  }
0x75: {  	_ =	shalt  }
0x76: {  	_ =	shalt  }
0x77: {  	_ =	shalt  }
0x78: {  	_ =	shalt  }
0x79: {  	_ =	shalt  }
0x7a: {  	_ =	shalt  }
0x7b: {  	_ =	shalt  }
0x7c: {  	_ =	shalt  }
0x7d: {  	_ =	shalt  }
0x7e: {  	_ =	shalt  }
0x7f: {  	_ =	shalt  }
0x80: {  	_ =	shalt  }
0x81: {  	_ =	shalt  }
0x82: {  	_ =	shalt  }
0x83: {  	_ =	shalt  }
0x84: {  	_ =	shalt  }
0x85: {  	_ =	shalt  }
0x86: {  	_ =	shalt  }
0x87: {  	_ =	shalt  }
.Lfunc_end0:
.L_simem_size_0:
called_computation_lowered:
.L_overlay_start_0:
0x88: {  	s2 =	sld [smem:$0x3FD9]  }
0x89: {  	s3 =	sld [smem:$0x3FFE];
	_ =	sdelay $0x1  }
0x8a: {  	s1 =	srdreg.scid  }
0x8b: {  	s0 =	sand.u32 $0x1, s1  }
0x8c: {  	s17 =	sshll.u32 s0, $0xA;
	s2 =	sadd.s32 s3, s2  }
0x8d: {  	s2 =	sadd.s32 s2, s17  }
0x8e: {  	[smem:$0x3FC1] =	sst s2  }
0x8f: {  	_ = 	snop  }
0x90: {  	s2 =	sld [smem:$0x3FC9];
	(tm) =	ssettm $0x1  }
0x91: {  	s18 =	sld [smem:$0x3FFB];
	_ =	sdelay $0x3  }
0x92: {  	_ =	strace s18  }
0x93: {  	s3 =	sld [smem:$0x3FFC];
	_ =	sdelay $0x3  }
0x94: {  	_ =	strace s3  }
0x95: {  	s3 =	sld [smem:$0x3FFD];
	_ =	sdelay $0x3  }
0x96: {  	_ =	strace s3  }
0x97: {  	_ =	strace $0x8FFFFFFF  }
0x98: {  	s19 =	sld [smem:$0x3FDB];
	_ =	sdelay $0x1  }
0x99: {  	s4 =	simm.s32 $_scs_section_size  }
0x9a: {  	s5 =	simm.s32 $_size__tile_overlayer_lowered;
	s6 =	simm.s32 $_tile_overlayer_lowered  }
0x9b: {  	s22 =	simm.s32 $0x1BFF;
	s21 =	sshll.u32 s6, $0x1;
	s3 =	sadd.s32 s4, s19  }
0x9c: {  	s7 =	simm.s32 $0x0;
	s20 =	sshll.u32 s5, $0x1;
	s5 =	sadd.s32 s21, s3  }
0x9d: {  	[timem:s7], [sflag:s22] =	dma.local [hbm:s5], s20  }
0x9e: {  	_ =	swait.ge [sflag:s22], s20  }
0x9f: {  	s4 =	ssub.s32 $0x0, s20;
	[sflag:s22] =	ssyncset.done $0x0  }
0xa0: {  	[sflag:s22] =	ssyncadd.s32 s4;
	_ =	sdelay $0x1  }
0xa1: {  	s23 =	simm.s32 $0x1B8B  }
0xa2: {  	_ =	swait.ge [sflag:s23], $0x1  }
0xa3: {  	[sflag:s23] =	ssyncset.done $0x0  }
0xa4: {  	s25 =	simm.s32 $0x1B8E;
	s24 =	sld [smem:$0x3FFE];
	[sflag:s23] =	ssyncadd.s32 $0xFFFFFFFF  }
0xa5: {  	s26 =	simm.s32 $execute0_lowered;
	[smem:$0x3FD2] =	sst s25  }
0xa6: {  	s5 =	sshll.u32 s26, $0x1;
	_ =	strace $0x80000046;
	[dreg:$0x1] =	wrdreg $0xFFFFFFFF  }
0xa7: {  	s28 =	simm.s32 $_size_execute0_lowered;
	s3 =	sadd.s32 s3, s5;
	[dreg:$0x0] =	wrdreg $0x0  }
0xa8: {  	s5 =	sshll.u32 s28, $0x1;
	[dreg:$0x2] =	wrdreg s3  }
0xa9: {  	[dreg:$0x3] =	wrdreg s5  }
0xaa: {  	[dreg:$0x4] =	wrdreg $0xC0  }
0xab: {  	_ =	task [dreg:s7], $0x5FFFF  }
0xac: {  	[dreg:$0x1] =	wrdreg $0xFFFFFFFF  }
0xad: {  	[dreg:$0x0] =	wrdreg $0x60  }
0xae: {  	[dreg:$0x2] =	wrdreg s2  }
0xaf: {  	[dreg:$0x3] =	wrdreg s24  }
0xb0: {  	[dreg:$0x4] =	wrdreg $0x9  }
0xb1: {  	_ =	task.clear_ibuf [dreg:s7], $0x5FFFF;
	_ =	strace $0x90000046  }
0xb2: {  	s29 =	simm.s32 $0x9;
	_ =	strace $0x80000048  }
0xb3: {  	_ =	swait.ge [sflag:s29], $0x1  }
0xb4: {  	[sflag:s29] =	ssyncadd.s32 $0xFFFFFFFF  }
0xb5: {  	_ =	strace $0x90000048  }
0xb6: {  	_ =	sfence  }
0xb7: {  	s30 =	sld [smem:$0x0];
	_ =	sdelay $0x2  }
0xb8: {  	s31 =	sshll.u32 s1, $0xD;
	s1 =	sshrl.u32 s1, $0x2  }
0xb9: {  	s3 =	sand.u32 $0x4000, s31;
	s1 =	sadd.s32 s1, s30  }
0xba: {  	s0 =	sor.u32 s3, s0;
	s1 =	sshll.u32 s1, $0x11  }
0xbb: {  	s0 =	sor.u32 s1, s0  }
0xbc: {  	s0 =	sadd.s32 $0x8F2B, s0  }
0xbd: {  	[sflag:s0] =	ssyncadd.remote.s32 $0x1  }
0xbe: {  	_ =	sfence.sel $0xFFFF  }
0xbf: {  	[dreg:$0x0] =	wrdreg $0xFFFFFFFF;
	(pc) =	sbr.abs _section_cstart, $3  }
0xc0: {  	[dreg:$0x1] =	wrdreg $0xFFFFFFFF  }
0xc1: {  	_ =	task.clear_ibuf [dreg:s7], $0x2FFFF;
	_ =	strace $0x9FFFFFFF  }
0xc2: {  	(tm) =	ssettm $0x7FFFFFFF  }
0xc3: {  	_ =	shalt  }
tec
execute0_lowered:
.L_overlay_start_1:
0x0: {  	(tag) =	ssettag $0x1  }
0x1: {  	s0 =	rddreg [dreg:$0x0]  }
0x2: {  	s1 =	rddreg [dreg:$0x1]  }
0x3: {  	s3 =	srdreg.scid;
	s5 =	stileid.u32  }
0x4: {  	s2 =	simm.s32 $0x0;
	s18 =	simm.s32 $0x1;
	s20 =	simm.s32 $0x1100  }
0x5: {  	s21 =	simm.s32 $0x1900;
	s22 =	simm.s32 $0x2100;
	s23 =	simm.s32 $0x2900  }
0x6: {  	s24 =	simm.s32 $0x3100;
	s25 =	simm.s32 $0x3900;
	s28 =	simm.s32 $0x4900  }
0x7: {  	s29 =	simm.s32 $0x5100;
	s30 =	simm.s32 $0x5900;
	s31 =	simm.s32 $0x6100  }
0x8: {  	s10 =	simm.s32 $0x7900;
	s11 =	simm.s32 $0x8100;
	s12 =	simm.s32 $0x8900  }
0x9: {  	s13 =	simm.s32 $0x9100;
	s14 =	simm.s32 $0x9900;
	s15 =	simm.s32 $0xA100  }
0xa: {  	s16 =	simm.s32 $0xA900;
	s17 =	simm.s32 $0xB100;
	s9 =	simm.s32 $0xB900  }
0xb: {  	s4 =	sand.u32 $0x1, s3;
	s26 =	sshll.u32 s5, $0x1;
	[smem:$0x7FF] =	sst s2  }
0xc: {  	s5 =	sor.u32 s4, s26;
	_ =	strace $0x80000047;
	s4 =	ssub.s32 $0x2, s4  }
0xd: {  	s26 =	simm.s32 $0x4100;
	s3 =	sshll.u32 s5, $0x5;
	s7 =	sshrl.u32 s4, $0x1  }
0xe: {  	s5 =	sshll.u32 s5, $0xD;
	s6 =	sadd.s32 s3, s1;
	s3 =	sadd.s32 $0x1E00, s1  }
0xf: {  	v2 =	vlaneseq.u32;
	s7 =	ssub.s32 s4, s7;
	s0 =	sadd.s32 s0, s5;
	s4 =	sadd.s32 $0x1F00, s1  }
0x10: {  	vm0 =	vmmov $0xffff;
	v1 =	vshrl.u32 v2, $0x3;
	s5 =	sadd.s32 $0x2000, s1;
	s6 =	sadd.s32 $0x1A00, s6;
	[dreg:$0x4] =	wrdreg s0  }
0x11: {  	v0 =	vand.u32 $0x7, v2;
	v2 =	vor.u32 $0x8, v2;
	v1 =	vmul.u32 $0x8, v1;
	s7 =	smax.u32 s7, $0x1;
	[dreg:$0x3] =	wrdreg s6;
	s6 =	sadd.s32 $0x2100, s1  }
.LBB2_1:
0x12: {  	s19 =	rddreg [dreg:$0x3];
	s0 =	simm.s32 $0x2  }
0x13: {  	[tilespmem:s2], [sflag:$0x2] =	stream.linear.gather [hbm4b:s19+s2], $0x100, $0x38;
	[tilespmem:$0x10100] =	vst v63  }
0x14: {  	_ =	swait.ge [sflag:s0], $0x100  }
0x15: {  	[sflag:s0] =	ssyncset.done $0x0  }
0x16: {  	s8 =	simm.s32 $0x100;
	s1 =	rddreg [dreg:$0x4];
	[sflag:s0] =	ssyncadd.s32 $0xFFFFFF00  }
0x17: {  	[tilespmem:s8], [sflag:$0x2] =	stream.linear.gather [hbm4b:s1+s2], $0x10000, $0x38;
	[tilespmem:$0x10100] =	vst v63  }
0x18: {  	_ =	swait.ge [sflag:s0], $0x10000  }
0x19: {  	[sflag:s0] =	ssyncset.done $0x0  }
0x1a: {  	[sflag:s0] =	ssyncadd.s32 $0xFFFF0000  }
0x1b: {  	v3 =	vld [tilespmem:$0x0];
	_ =	sdelay $0x4  }
0x1c: {  	v4 =	vshll.u32 v3, $0x3  }
0x1d: {  	v3 =	vand.u32 $0x7, v3;
	v4 =	vand.u32 $0xFFFFFFC0, v4  }
0x1e: {  	v3 =	vor.u32 v3, v4  }
0x1f: {  	v4 =	vperm.xlane v3, v0;
	_ =	sdelay $0x1  }
0x20: {  	v4 =	vadd.s32 v1, v4;
	_ =	sdelay $0x4  }
0x21: {  	[hbm4b:s3+s2] =	stream.indirect_vreg.scatter [tilespmem:s8], [sflag:$0x1], $0x80, v4, vm0, $0xb8;
	[tilespmem:$0x10100] =	vst v63  }
0x22: {  	s19 =	simm.s32 $0x900;
	v3 =	vperm.xlane v3, v2  }
0x23: {  	[hbm4b:s4+s2] =	stream.indirect_vreg.scatter [tilespmem:s19], [sflag:$0x1], $0x80, v4, vm0, $0xb8;
	[tilespmem:$0x10100] =	vst v63  }
0x24: {  	v3 =	vadd.s32 v1, v3  }
0x25: {  	[hbm4b:s5+s2] =	stream.indirect_vreg.scatter [tilespmem:s20], [sflag:$0x1], $0x80, v4, vm0, $0xb8;
	[tilespmem:$0x10100] =	vst v63  }
0x26: {  	_ = 	snop  }
0x27: {  	[hbm4b:s6+s2] =	stream.indirect_vreg.scatter [tilespmem:s21], [sflag:$0x1], $0x80, v4, vm0, $0xb8;
	[tilespmem:$0x10100] =	vst v63  }
0x28: {  	_ = 	snop  }
0x29: {  	[hbm4b:s3+s2] =	stream.indirect_vreg.scatter [tilespmem:s22], [sflag:$0x1], $0x80, v3, vm0, $0xb8;
	[tilespmem:$0x10100] =	vst v63  }
0x2a: {  	_ = 	snop  }
0x2b: {  	[hbm4b:s4+s2] =	stream.indirect_vreg.scatter [tilespmem:s23], [sflag:$0x1], $0x80, v3, vm0, $0xb8;
	[tilespmem:$0x10100] =	vst v63  }
0x2c: {  	_ = 	snop  }
0x2d: {  	[hbm4b:s5+s2] =	stream.indirect_vreg.scatter [tilespmem:s24], [sflag:$0x1], $0x80, v3, vm0, $0xb8;
	[tilespmem:$0x10100] =	vst v63  }
0x2e: {  	_ = 	snop  }
0x2f: {  	[hbm4b:s6+s2] =	stream.indirect_vreg.scatter [tilespmem:s25], [sflag:$0x1], $0x80, v3, vm0, $0xb8;
	[tilespmem:$0x10100] =	vst v63  }
0x30: {  	v3 =	vld [tilespmem:$0x10];
	_ =	sdelay $0x4  }
0x31: {  	v57 =	vshll.u32 v3, $0x3  }
0x32: {  	v3 =	vand.u32 $0x7, v3;
	v4 =	vand.u32 $0xFFFFFFC0, v57  }
0x33: {  	v3 =	vor.u32 v3, v4  }
0x34: {  	v4 =	vperm.xlane v3, v0;
	_ =	sdelay $0x1  }
0x35: {  	v4 =	vadd.s32 v1, v4;
	_ =	sdelay $0x4  }
0x36: {  	[hbm4b:s3+s2] =	stream.indirect_vreg.scatter [tilespmem:s26], [sflag:$0x1], $0x80, v4, vm0, $0xb8;
	[tilespmem:$0x10100] =	vst v63  }
0x37: {  	v3 =	vperm.xlane v3, v2  }
0x38: {  	[hbm4b:s4+s2] =	stream.indirect_vreg.scatter [tilespmem:s28], [sflag:$0x1], $0x80, v4, vm0, $0xb8;
	[tilespmem:$0x10100] =	vst v63  }
0x39: {  	v3 =	vadd.s32 v1, v3  }
0x3a: {  	[hbm4b:s5+s2] =	stream.indirect_vreg.scatter [tilespmem:s29], [sflag:$0x1], $0x80, v4, vm0, $0xb8;
	[tilespmem:$0x10100] =	vst v63  }
0x3b: {  	_ = 	snop  }
0x3c: {  	[hbm4b:s6+s2] =	stream.indirect_vreg.scatter [tilespmem:s30], [sflag:$0x1], $0x80, v4, vm0, $0xb8;
	[tilespmem:$0x10100] =	vst v63  }
0x3d: {  	_ = 	snop  }
0x3e: {  	[hbm4b:s3+s2] =	stream.indirect_vreg.scatter [tilespmem:s31], [sflag:$0x1], $0x80, v3, vm0, $0xb8;
	[tilespmem:$0x10100] =	vst v63  }
0x3f: {  	s1 =	simm.s32 $0x6900  }
0x40: {  	[hbm4b:s4+s2] =	stream.indirect_vreg.scatter [tilespmem:s1], [sflag:$0x1], $0x80, v3, vm0, $0xb8;
	[tilespmem:$0x10100] =	vst v63  }
0x41: {  	s1 =	simm.s32 $0x7100  }
0x42: {  	[hbm4b:s5+s2] =	stream.indirect_vreg.scatter [tilespmem:s1], [sflag:$0x1], $0x80, v3, vm0, $0xb8;
	[tilespmem:$0x10100] =	vst v63  }
0x43: {  	_ = 	snop  }
0x44: {  	[hbm4b:s6+s2] =	stream.indirect_vreg.scatter [tilespmem:s10], [sflag:$0x1], $0x80, v3, vm0, $0xb8;
	[tilespmem:$0x10100] =	vst v63  }
0x45: {  	v3 =	vld [tilespmem:$0x20];
	_ =	sdelay $0x4  }
0x46: {  	v58 =	vshll.u32 v3, $0x3  }
0x47: {  	v3 =	vand.u32 $0x7, v3;
	v4 =	vand.u32 $0xFFFFFFC0, v58  }
0x48: {  	v3 =	vor.u32 v3, v4  }
0x49: {  	v4 =	vperm.xlane v3, v0;
	_ =	sdelay $0x1  }
0x4a: {  	v4 =	vadd.s32 v1, v4;
	_ =	sdelay $0x4  }
0x4b: {  	[hbm4b:s3+s2] =	stream.indirect_vreg.scatter [tilespmem:s11], [sflag:$0x1], $0x80, v4, vm0, $0xb8;
	[tilespmem:$0x10100] =	vst v63  }
0x4c: {  	v3 =	vperm.xlane v3, v2  }
0x4d: {  	[hbm4b:s4+s2] =	stream.indirect_vreg.scatter [tilespmem:s12], [sflag:$0x1], $0x80, v4, vm0, $0xb8;
	[tilespmem:$0x10100] =	vst v63  }
0x4e: {  	v3 =	vadd.s32 v1, v3  }
0x4f: {  	[hbm4b:s5+s2] =	stream.indirect_vreg.scatter [tilespmem:s13], [sflag:$0x1], $0x80, v4, vm0, $0xb8;
	[tilespmem:$0x10100] =	vst v63  }
0x50: {  	_ = 	snop  }
0x51: {  	[hbm4b:s6+s2] =	stream.indirect_vreg.scatter [tilespmem:s14], [sflag:$0x1], $0x80, v4, vm0, $0xb8;
	[tilespmem:$0x10100] =	vst v63  }
0x52: {  	_ = 	snop  }
0x53: {  	[hbm4b:s3+s2] =	stream.indirect_vreg.scatter [tilespmem:s15], [sflag:$0x1], $0x80, v3, vm0, $0xb8;
	[tilespmem:$0x10100] =	vst v63  }
0x54: {  	_ = 	snop  }
0x55: {  	[hbm4b:s4+s2] =	stream.indirect_vreg.scatter [tilespmem:s16], [sflag:$0x1], $0x80, v3, vm0, $0xb8;
	[tilespmem:$0x10100] =	vst v63  }
0x56: {  	_ = 	snop  }
0x57: {  	[hbm4b:s5+s2] =	stream.indirect_vreg.scatter [tilespmem:s17], [sflag:$0x1], $0x80, v3, vm0, $0xb8;
	[tilespmem:$0x10100] =	vst v63  }
0x58: {  	_ = 	snop  }
0x59: {  	[hbm4b:s6+s2] =	stream.indirect_vreg.scatter [tilespmem:s9], [sflag:$0x1], $0x80, v3, vm0, $0xb8;
	[tilespmem:$0x10100] =	vst v63  }
0x5a: {  	v3 =	vld [tilespmem:$0x30];
	_ =	sdelay $0x4  }
0x5b: {  	v59 =	vshll.u32 v3, $0x3  }
0x5c: {  	v3 =	vand.u32 $0x7, v3;
	v4 =	vand.u32 $0xFFFFFFC0, v59  }
0x5d: {  	v3 =	vor.u32 v3, v4  }
0x5e: {  	v4 =	vperm.xlane v3, v0;
	_ =	sdelay $0x1  }
0x5f: {  	v4 =	vadd.s32 v1, v4;
	_ =	sdelay $0x3  }
0x60: {  	s0 =	simm.s32 $0xC100  }
0x61: {  	[hbm4b:s3+s2] =	stream.indirect_vreg.scatter [tilespmem:s0], [sflag:$0x1], $0x80, v4, vm0, $0xb8;
	[tilespmem:$0x10100] =	vst v63  }
0x62: {  	v3 =	vperm.xlane v3, v2;
	s0 =	simm.s32 $0xC900  }
0x63: {  	[hbm4b:s4+s2] =	stream.indirect_vreg.scatter [tilespmem:s0], [sflag:$0x1], $0x80, v4, vm0, $0xb8;
	[tilespmem:$0x10100] =	vst v63  }
0x64: {  	v3 =	vadd.s32 v1, v3;
	s0 =	simm.s32 $0xD100  }
0x65: {  	[hbm4b:s5+s2] =	stream.indirect_vreg.scatter [tilespmem:s0], [sflag:$0x1], $0x80, v4, vm0, $0xb8;
	[tilespmem:$0x10100] =	vst v63  }
0x66: {  	s0 =	simm.s32 $0xD900  }
0x67: {  	[hbm4b:s6+s2] =	stream.indirect_vreg.scatter [tilespmem:s0], [sflag:$0x1], $0x80, v4, vm0, $0xb8;
	[tilespmem:$0x10100] =	vst v63  }
0x68: {  	s0 =	simm.s32 $0xE100  }
0x69: {  	[hbm4b:s3+s2] =	stream.indirect_vreg.scatter [tilespmem:s0], [sflag:$0x1], $0x80, v3, vm0, $0xb8;
	[tilespmem:$0x10100] =	vst v63  }
0x6a: {  	s0 =	simm.s32 $0xE900  }
0x6b: {  	[hbm4b:s4+s2] =	stream.indirect_vreg.scatter [tilespmem:s0], [sflag:$0x1], $0x80, v3, vm0, $0xb8;
	[tilespmem:$0x10100] =	vst v63  }
0x6c: {  	s0 =	simm.s32 $0xF100  }
0x6d: {  	[hbm4b:s5+s2] =	stream.indirect_vreg.scatter [tilespmem:s0], [sflag:$0x1], $0x80, v3, vm0, $0xb8;
	[tilespmem:$0x10100] =	vst v63  }
0x6e: {  	s0 =	simm.s32 $0xF900  }
0x6f: {  	[hbm4b:s6+s2] =	stream.indirect_vreg.scatter [tilespmem:s0], [sflag:$0x1], $0x80, v3, vm0, $0xb8;
	[tilespmem:$0x10100] =	vst v63  }
0x70: {  	_ =	swait.ge [sflag:s18], $0x10000  }
0x71: {  	[sflag:s18] =	ssyncset.done $0x0  }
0x72: {  	[sflag:s18] =	ssyncadd.s32 $0xFFFF0000  }
0x73: {  	v3 =	vld [tilespmem:$0x80];
	_ =	sdelay $0x4  }
0x74: {  	v60 =	vshll.u32 v3, $0x3  }
0x75: {  	v3 =	vand.u32 $0x7, v3;
	v4 =	vand.u32 $0xFFFFFFC0, v60  }
0x76: {  	v3 =	vor.u32 v3, v4  }
0x77: {  	v4 =	vperm.xlane v3, v0;
	_ =	sdelay $0x1  }
0x78: {  	v4 =	vadd.s32 v1, v4;
	_ =	sdelay $0x4  }
0x79: {  	[hbm4b:s3+s2] =	stream.indirect_vreg.scatter [tilespmem:s8], [sflag:$0x1], $0x80, v4, vm0, $0xb8;
	[tilespmem:$0x10100] =	vst v63  }
0x7a: {  	v3 =	vperm.xlane v3, v2  }
0x7b: {  	[hbm4b:s4+s2] =	stream.indirect_vreg.scatter [tilespmem:s19], [sflag:$0x1], $0x80, v4, vm0, $0xb8;
	[tilespmem:$0x10100] =	vst v63  }
0x7c: {  	v3 =	vadd.s32 v1, v3  }
0x7d: {  	[hbm4b:s5+s2] =	stream.indirect_vreg.scatter [tilespmem:s20], [sflag:$0x1], $0x80, v4, vm0, $0xb8;
	[tilespmem:$0x10100] =	vst v63  }
0x7e: {  	_ = 	snop  }
0x7f: {  	[hbm4b:s6+s2] =	stream.indirect_vreg.scatter [tilespmem:s21], [sflag:$0x1], $0x80, v4, vm0, $0xb8;
	[tilespmem:$0x10100] =	vst v63  }
0x80: {  	_ = 	snop  }
0x81: {  	[hbm4b:s3+s2] =	stream.indirect_vreg.scatter [tilespmem:s22], [sflag:$0x1], $0x80, v3, vm0, $0xb8;
	[tilespmem:$0x10100] =	vst v63  }
0x82: {  	_ = 	snop  }
0x83: {  	[hbm4b:s4+s2] =	stream.indirect_vreg.scatter [tilespmem:s23], [sflag:$0x1], $0x80, v3, vm0, $0xb8;
	[tilespmem:$0x10100] =	vst v63  }
0x84: {  	_ = 	snop  }
0x85: {  	[hbm4b:s5+s2] =	stream.indirect_vreg.scatter [tilespmem:s24], [sflag:$0x1], $0x80, v3, vm0, $0xb8;
	[tilespmem:$0x10100] =	vst v63  }
0x86: {  	_ = 	snop  }
0x87: {  	[hbm4b:s6+s2] =	stream.indirect_vreg.scatter [tilespmem:s25], [sflag:$0x1], $0x80, v3, vm0, $0xb8;
	[tilespmem:$0x10100] =	vst v63  }
0x88: {  	v3 =	vld [tilespmem:$0x90];
	_ =	sdelay $0x4  }
0x89: {  	v61 =	vshll.u32 v3, $0x3  }
0x8a: {  	v3 =	vand.u32 $0x7, v3;
	v4 =	vand.u32 $0xFFFFFFC0, v61  }
0x8b: {  	v3 =	vor.u32 v3, v4  }
0x8c: {  	v4 =	vperm.xlane v3, v0;
	_ =	sdelay $0x1  }
0x8d: {  	v4 =	vadd.s32 v1, v4;
	_ =	sdelay $0x4  }
0x8e: {  	[hbm4b:s3+s2] =	stream.indirect_vreg.scatter [tilespmem:s26], [sflag:$0x1], $0x80, v4, vm0, $0xb8;
	[tilespmem:$0x10100] =	vst v63  }
0x8f: {  	v3 =	vperm.xlane v3, v2  }
0x90: {  	[hbm4b:s4+s2] =	stream.indirect_vreg.scatter [tilespmem:s28], [sflag:$0x1], $0x80, v4, vm0, $0xb8;
	[tilespmem:$0x10100] =	vst v63  }
0x91: {  	v3 =	vadd.s32 v1, v3  }
0x92: {  	[hbm4b:s5+s2] =	stream.indirect_vreg.scatter [tilespmem:s29], [sflag:$0x1], $0x80, v4, vm0, $0xb8;
	[tilespmem:$0x10100] =	vst v63  }
0x93: {  	_ = 	snop  }
0x94: {  	[hbm4b:s6+s2] =	stream.indirect_vreg.scatter [tilespmem:s30], [sflag:$0x1], $0x80, v4, vm0, $0xb8;
	[tilespmem:$0x10100] =	vst v63  }
0x95: {  	_ = 	snop  }
0x96: {  	[hbm4b:s3+s2] =	stream.indirect_vreg.scatter [tilespmem:s31], [sflag:$0x1], $0x80, v3, vm0, $0xb8;
	[tilespmem:$0x10100] =	vst v63  }
0x97: {  	s19 =	simm.s32 $0x6900  }
0x98: {  	[hbm4b:s4+s2] =	stream.indirect_vreg.scatter [tilespmem:s19], [sflag:$0x1], $0x80, v3, vm0, $0xb8;
	[tilespmem:$0x10100] =	vst v63  }
0x99: {  	_ = 	snop  }
0x9a: {  	[hbm4b:s5+s2] =	stream.indirect_vreg.scatter [tilespmem:s1], [sflag:$0x1], $0x80, v3, vm0, $0xb8;
	[tilespmem:$0x10100] =	vst v63  }
0x9b: {  	_ = 	snop  }
0x9c: {  	[hbm4b:s6+s2] =	stream.indirect_vreg.scatter [tilespmem:s10], [sflag:$0x1], $0x80, v3, vm0, $0xb8;
	[tilespmem:$0x10100] =	vst v63  }
0x9d: {  	v3 =	vld [tilespmem:$0xA0];
	_ =	sdelay $0x4  }
0x9e: {  	v62 =	vshll.u32 v3, $0x3  }
0x9f: {  	v3 =	vand.u32 $0x7, v3;
	v4 =	vand.u32 $0xFFFFFFC0, v62  }
0xa0: {  	v3 =	vor.u32 v3, v4  }
0xa1: {  	v4 =	vperm.xlane v3, v0;
	_ =	sdelay $0x1  }
0xa2: {  	v4 =	vadd.s32 v1, v4;
	_ =	sdelay $0x4  }
0xa3: {  	[hbm4b:s3+s2] =	stream.indirect_vreg.scatter [tilespmem:s11], [sflag:$0x1], $0x80, v4, vm0, $0xb8;
	[tilespmem:$0x10100] =	vst v63  }
0xa4: {  	v3 =	vperm.xlane v3, v2  }
0xa5: {  	[hbm4b:s4+s2] =	stream.indirect_vreg.scatter [tilespmem:s12], [sflag:$0x1], $0x80, v4, vm0, $0xb8;
	[tilespmem:$0x10100] =	vst v63  }
0xa6: {  	v3 =	vadd.s32 v1, v3  }
0xa7: {  	[hbm4b:s5+s2] =	stream.indirect_vreg.scatter [tilespmem:s13], [sflag:$0x1], $0x80, v4, vm0, $0xb8;
	[tilespmem:$0x10100] =	vst v63  }
0xa8: {  	_ = 	snop  }
0xa9: {  	[hbm4b:s6+s2] =	stream.indirect_vreg.scatter [tilespmem:s14], [sflag:$0x1], $0x80, v4, vm0, $0xb8;
	[tilespmem:$0x10100] =	vst v63  }
0xaa: {  	_ = 	snop  }
0xab: {  	[hbm4b:s3+s2] =	stream.indirect_vreg.scatter [tilespmem:s15], [sflag:$0x1], $0x80, v3, vm0, $0xb8;
	[tilespmem:$0x10100] =	vst v63  }
0xac: {  	_ = 	snop  }
0xad: {  	[hbm4b:s4+s2] =	stream.indirect_vreg.scatter [tilespmem:s16], [sflag:$0x1], $0x80, v3, vm0, $0xb8;
	[tilespmem:$0x10100] =	vst v63  }
0xae: {  	_ = 	snop  }
0xaf: {  	[hbm4b:s5+s2] =	stream.indirect_vreg.scatter [tilespmem:s17], [sflag:$0x1], $0x80, v3, vm0, $0xb8;
	[tilespmem:$0x10100] =	vst v63  }
0xb0: {  	_ = 	snop  }
0xb1: {  	[hbm4b:s6+s2] =	stream.indirect_vreg.scatter [tilespmem:s9], [sflag:$0x1], $0x80, v3, vm0, $0xb8;
	[tilespmem:$0x10100] =	vst v63  }
0xb2: {  	v3 =	vld [tilespmem:$0xB0];
	_ =	sdelay $0x4  }
0xb3: {  	v63 =	vshll.u32 v3, $0x3  }
0xb4: {  	v3 =	vand.u32 $0x7, v3;
	v4 =	vand.u32 $0xFFFFFFC0, v63  }
0xb5: {  	v3 =	vor.u32 v3, v4  }
0xb6: {  	v4 =	vperm.xlane v3, v0;
	_ =	sdelay $0x1  }
0xb7: {  	v4 =	vadd.s32 v1, v4;
	_ =	sdelay $0x3  }
0xb8: {  	s19 =	simm.s32 $0xC100  }
0xb9: {  	[hbm4b:s3+s2] =	stream.indirect_vreg.scatter [tilespmem:s19], [sflag:$0x1], $0x80, v4, vm0, $0xb8;
	[tilespmem:$0x10100] =	vst v63  }
0xba: {  	s8 =	simm.s32 $0xC900;
	v3 =	vperm.xlane v3, v2  }
0xbb: {  	[hbm4b:s4+s2] =	stream.indirect_vreg.scatter [tilespmem:s8], [sflag:$0x1], $0x80, v4, vm0, $0xb8;
	[tilespmem:$0x10100] =	vst v63  }
0xbc: {  	v3 =	vadd.s32 v1, v3;
	s19 =	simm.s32 $0xD100  }
0xbd: {  	[hbm4b:s5+s2] =	stream.indirect_vreg.scatter [tilespmem:s19], [sflag:$0x1], $0x80, v4, vm0, $0xb8;
	[tilespmem:$0x10100] =	vst v63  }
0xbe: {  	s8 =	simm.s32 $0xD900  }
0xbf: {  	[hbm4b:s6+s2] =	stream.indirect_vreg.scatter [tilespmem:s8], [sflag:$0x1], $0x80, v4, vm0, $0xb8;
	[tilespmem:$0x10100] =	vst v63  }
0xc0: {  	s19 =	simm.s32 $0xE100  }
0xc1: {  	[hbm4b:s3+s2] =	stream.indirect_vreg.scatter [tilespmem:s19], [sflag:$0x1], $0x80, v3, vm0, $0xb8;
	[tilespmem:$0x10100] =	vst v63  }
0xc2: {  	s8 =	simm.s32 $0xE900  }
0xc3: {  	[hbm4b:s4+s2] =	stream.indirect_vreg.scatter [tilespmem:s8], [sflag:$0x1], $0x80, v3, vm0, $0xb8;
	[tilespmem:$0x10100] =	vst v63  }
0xc4: {  	p0 =	sne.s32 s7, $0x1;
	s19 =	simm.s32 $0xF100  }
0xc5: {  	[hbm4b:s5+s2] =	stream.indirect_vreg.scatter [tilespmem:s19], [sflag:$0x1], $0x80, v3, vm0, $0xb8;
	[tilespmem:$0x10100] =	vst v63  }
.Ltmp0:
0xc6: {  	_ = 	snop;
	(pc) =	sbr.rel @p0 .LBB2_1-.Ltmp0, $4  }
0xc7: {  	[hbm4b:s6+s2] =	stream.indirect_vreg.scatter [tilespmem:s0], [sflag:$0x1], $0x80, v3, vm0, $0xb8;
	[tilespmem:$0x10100] =	vst v63  }
0xc8: {  	_ =	swait.ge [sflag:s18], $0x10000  }
0xc9: {  	[sflag:s18] =	ssyncset.done $0x0  }
0xca: {  	s7 =	sadd.s32 $0xFFFFFFFF, s7;
	[sflag:s18] =	ssyncadd.s32 $0xFFFF0000  }
0xcb: {  	_ =	sfence.sel $0x180000  }
0xcc: {  	[bflag:$0x0] =	sbarrier.arrive $0xFFFF  }
0xcd: {  	_ =	strace $0x90000047  }
0xce: {  	s0 =	stileid.u32;
	[bflag:$0x2] =	sbarrier.arrive $0xFFFF  }
0xcf: {  	p0 =	sne.s32 s0, $0x0;
	s0 =	rddreg [dreg:$0x2]  }
0xd0: {  	s0 =	sadd.s32 @!p0 $0x100000, s0  }
0xd1: {  	[sflag:s0] =	ssyncadd.tile.s32 @!p0 $0x1;
	_ =	shalt  }
.Lfunc_end2:
_tile_overlayer_lowered:
.L_overlay_start_2:
0xd2: {  	(tag) =	ssettag $0x2  }
0xd3: {  	s0 =	rddreg [dreg:$0x0];
	s2 =	stileid.u32  }
0xd4: {  	s1 =	rddreg [dreg:$0x1];
	p0 =	sne.s32 s2, $0x0  }
0xd5: {  	s3 =	rddreg [dreg:$0x2];
	[bflag:$0x3] =	sbarrier.arrive $0xFFFF;
	s2 =	simm.s32 @!p0 $0x1C02  }
0xd6: {  	[timem:s3], [sflag:s2] =	dma.local @!p0 [hbm:s0], s1  }
0xd7: {  	s0 =	simm.s32 @!p0 $0x2  }
0xd8: {  	_ =	swait.ge @!p0 [sflag:s0], s1  }
0xd9: {  	s1 =	ssub.s32 @!p0 $0x0, s1;
	[sflag:s0] =	ssyncset.done @!p0 $0x0  }
0xda: {  	[sflag:s0] =	ssyncadd.s32 @!p0 s1  }
0xdb: {  	[bflag:$0x3] =	sbarrier.arrive $0xFFFF  }
0xdc: {  	_ =	shalt  }

</sc_bundles>
